<compile_context>
chip_gen: v7x
topology: tpu7x:2x2x1
jax: 0.10.2.dev20260603
libtpu: 0.0.44.dev20260713+nightly
codegen_flags: <defaults>
</compile_context>

<pallas_src>
import functools

import jax
import jax.numpy as jnp
from jax import lax
from jax.experimental import pallas as pl
from jax.experimental.pallas import tpu as pltpu
from jax.experimental.pallas import tpu_sc as plsc

BATCH = 4
SEQ = 2048
EMB_DIM = 128
NUM_CORES = 2
NUM_SUBCORES = 16
NUM_WORKERS = NUM_CORES * NUM_SUBCORES
ROWS_PER_WORKER = BATCH * SEQ // NUM_WORKERS
WORKERS_PER_BATCH = SEQ // ROWS_PER_WORKER
NCHUNK = 4
CHUNK = ROWS_PER_WORKER // NCHUNK


def _emb_body(x_hbm, tok_hbm, pos_hbm, out_hbm, idx_v, rows_v, semi, semp, semg, semo):
    wid = lax.axis_index("s") * NUM_CORES + lax.axis_index("c")
    b = lax.div(wid, WORKERS_PER_BATCH)
    s0 = lax.rem(wid, WORKERS_PER_BATCH) * ROWS_PER_WORKER

    idx_cp = pltpu.async_copy(
        x_hbm.at[b, pl.ds(s0, ROWS_PER_WORKER)], idx_v, semi.at[0]
    )
    pos_cps = [
        pltpu.async_copy(
            pos_hbm.at[pl.ds(s0 + c * CHUNK, CHUNK)],
            rows_v.at[pl.ds(c * CHUNK, CHUNK)],
            semp.at[c],
        )
        for c in range(NCHUNK)
    ]
    idx_cp.wait()
    g_cps = []
    for c in range(NCHUNK):
        pos_cps[c].wait()
        g_cps.append(
            pltpu.async_copy(
                tok_hbm.at[idx_v.at[pl.ds(c * CHUNK, CHUNK)]],
                rows_v.at[pl.ds(c * CHUNK, CHUNK)],
                semg.at[c],
                add=True,
            )
        )
    o_cps = []
    for c in range(NCHUNK):
        g_cps[c].wait()
        o_cps.append(
            pltpu.async_copy(
                rows_v.at[pl.ds(c * CHUNK, CHUNK)],
                out_hbm.at[b, pl.ds(s0 + c * CHUNK, CHUNK)],
                semo.at[c],
            )
        )
    for cp in o_cps:
        cp.wait()


_emb_call = functools.partial(
    pl.kernel,
    out_type=jax.ShapeDtypeStruct((BATCH, SEQ, EMB_DIM), jnp.float32),
    mesh=plsc.VectorSubcoreMesh(core_axis_name="c", subcore_axis_name="s"),
    scratch_types=[
        pltpu.VMEM((ROWS_PER_WORKER,), jnp.int32),
        pltpu.VMEM((ROWS_PER_WORKER, EMB_DIM), jnp.float32),
        pltpu.SemaphoreType.DMA((1,)),
        pltpu.SemaphoreType.DMA((NCHUNK,)),
        pltpu.SemaphoreType.DMA((NCHUNK,)),
        pltpu.SemaphoreType.DMA((NCHUNK,)),
    ],
)(_emb_body)


def kernel(x, tok_emb, pos_emb):
    return _emb_call(x.astype(jnp.int32), tok_emb, pos_emb)

# --- scband reference (transcript-rebuilt; emitter-appended) ---
"""Pipeline reference for scband-embedding-51024211477215 (READ-ONLY COPY).

The authoritative reference and input builder live on the scoring server;
editing this copy changes nothing except your own understanding.
"""

import jax, jax.numpy as jnp
import numpy as np

VOCAB = 100000
EMB_DIM = 128
CTX = 2048
BATCH = 4
SEQ = 2048

def setup_inputs(seed: int = 0) -> dict:
    key = jax.random.key(seed)
    k1, k2, k3 = jax.random.split(key, 3)
    x = jax.random.randint(k1, (BATCH, SEQ), 0, VOCAB, dtype=jnp.int64 if jax.config.jax_enable_x64 else jnp.int32)
    tok_emb = jax.random.normal(k2, (VOCAB, EMB_DIM), dtype=jnp.float32) * 0.02
    pos_emb = jax.random.normal(k3, (CTX, EMB_DIM), dtype=jnp.float32) * 0.02
    return {"x": x, "tok_emb": tok_emb, "pos_emb": pos_emb}

def reference(x, tok_emb, pos_emb):
    batch, seq_len = x.shape
    emb = jnp.take(tok_emb, x, axis=0)            # [B, S, D] gather
    pos_ids = jnp.arange(seq_len)
    pos_embeds = jnp.take(pos_emb, pos_ids, axis=0)  # [S, D]
    embedding = emb + pos_embeds[None, :, :]
    return embedding

if __name__ == "__main__":
    import jax
    _d = setup_inputs()
    print(jax.jit(kernel)(*tuple(_d.values())))

</pallas_src>

<mosaic_0001>
#map = affine_map<(d0, d1) -> (0, 0)>
#map1 = affine_map<(d0, d1) -> (0, 0, 0)>
module attributes {stable_mosaic.version = 14 : i64} {
  func.func @_emb_body(%arg0: i32, %arg1: i32, %arg2: memref<4x2048xi32, #tpu.memory_space<hbm>>, %arg3: memref<100000x128xf32, #tpu.memory_space<hbm>>, %arg4: memref<2048x128xf32, #tpu.memory_space<hbm>>, %arg5: memref<4x2048x128xf32, #tpu.memory_space<hbm>>, %arg6: memref<256xi32, #tpu.memory_space<vmem>>, %arg7: memref<256x128xf32, #tpu.memory_space<vmem>>, %arg8: memref<1x!tpu.dma_semaphore, #tpu.memory_space<semaphore_mem>>, %arg9: memref<4x!tpu.dma_semaphore, #tpu.memory_space<semaphore_mem>>, %arg10: memref<4x!tpu.dma_semaphore, #tpu.memory_space<semaphore_mem>>, %arg11: memref<4x!tpu.dma_semaphore, #tpu.memory_space<semaphore_mem>>) attributes {dimension_semantics = [#tpu.dimension_semantics<core_parallel>, #tpu.dimension_semantics<subcore_parallel>], iteration_bounds = array<i64: 2, 16>, scalar_prefetch = 0 : i64, scratch_operands = 6 : i64, tpu.core_type = #tpu.core_type<sc_vector_subcore>, window_params = [{transform_indices = #map}, {transform_indices = #map}, {transform_indices = #map}, {transform_indices = #map1}]} {
    %mul3A = arith.constant 2 : i32
    %mul3A_0 = arith.muli %arg1, %mul3A : i32
    %add3A = arith.addi %mul3A_0, %arg0 : i32
    %div3A = arith.constant 8 : i32
    %div3A_1 = arith.divsi %add3A, %div3A : i32
    %rem3A = arith.constant 8 : i32
    %rem3A_2 = arith.remsi %add3A, %rem3A : i32
    %mul3A_3 = arith.constant 256 : i32
    %mul3A_4 = arith.muli %rem3A_2, %mul3A_3 : i32
    %dma_start3A = arith.constant 0 : i32
    %dma_start3A_5 = tpu.memref_slice %arg2[%div3A_1, %mul3A_4] : memref<4x2048xi32, #tpu.memory_space<hbm>> -> memref<1x256xi32, #tpu.memory_space<hbm>>
    %dma_start3A_6 = tpu.memref_squeeze %dma_start3A_5 : memref<1x256xi32, #tpu.memory_space<hbm>> -> memref<256xi32, #tpu.memory_space<hbm>>
    %dma_start3A_7 = tpu.memref_slice %arg8[%dma_start3A] : memref<1x!tpu.dma_semaphore, #tpu.memory_space<semaphore_mem>> -> memref<1x!tpu.dma_semaphore, #tpu.memory_space<semaphore_mem>>
    %dma_start3A_8 = tpu.memref_squeeze %dma_start3A_7 : memref<1x!tpu.dma_semaphore, #tpu.memory_space<semaphore_mem>> -> memref<!tpu.dma_semaphore, #tpu.memory_space<semaphore_mem>>
    %dma_start3A_9 = tpu.memref_slice %arg2[%div3A_1, %mul3A_4] : memref<4x2048xi32, #tpu.memory_space<hbm>> -> memref<1x256xi32, #tpu.memory_space<hbm>>
    %dma_start3A_10 = tpu.memref_squeeze %dma_start3A_9 : memref<1x256xi32, #tpu.memory_space<hbm>> -> memref<256xi32, #tpu.memory_space<hbm>>
    tpu.enqueue_dma source(%dma_start3A_10 : memref<256xi32, #tpu.memory_space<hbm>>) target(%arg6 : memref<256xi32, #tpu.memory_space<vmem>>) target_semaphore(%dma_start3A_8 : memref<!tpu.dma_semaphore, #tpu.memory_space<semaphore_mem>>)
    %add3A_11 = arith.constant 0 : i32
    %add3A_12 = arith.addi %mul3A_4, %add3A_11 : i32
    %dma_start3A_13 = arith.constant 0 : i32
    %dma_start3A_14 = arith.constant 0 : i32
    %dma_start3A_15 = arith.constant 0 : i32
    %dma_start3A_16 = tpu.memref_slice %arg7[%dma_start3A_14, %dma_start3A_15] : memref<256x128xf32, #tpu.memory_space<vmem>> -> memref<64x128xf32, #tpu.memory_space<vmem>>
    %dma_start3A_17 = arith.constant 0 : i32
    %dma_start3A_18 = tpu.memref_slice %arg4[%add3A_12, %dma_start3A_17] : memref<2048x128xf32, #tpu.memory_space<hbm>> -> memref<64x128xf32, #tpu.memory_space<hbm>>
    %dma_start3A_19 = tpu.memref_slice %arg9[%dma_start3A_13] : memref<4x!tpu.dma_semaphore, #tpu.memory_space<semaphore_mem>> -> memref<1x!tpu.dma_semaphore, #tpu.memory_space<semaphore_mem>>
    %dma_start3A_20 = tpu.memref_squeeze %dma_start3A_19 : memref<1x!tpu.dma_semaphore, #tpu.memory_space<semaphore_mem>> -> memref<!tpu.dma_semaphore, #tpu.memory_space<semaphore_mem>>
    %dma_start3A_21 = arith.constant 0 : i32
    %dma_start3A_22 = arith.constant 0 : i32
    %dma_start3A_23 = tpu.memref_slice %arg7[%dma_start3A_21, %dma_start3A_22] : memref<256x128xf32, #tpu.memory_space<vmem>> -> memref<64x128xf32, #tpu.memory_space<vmem>>
    %dma_start3A_24 = arith.constant 0 : i32
    %dma_start3A_25 = tpu.memref_slice %arg4[%add3A_12, %dma_start3A_24] : memref<2048x128xf32, #tpu.memory_space<hbm>> -> memref<64x128xf32, #tpu.memory_space<hbm>>
    tpu.enqueue_dma source(%dma_start3A_25 : memref<64x128xf32, #tpu.memory_space<hbm>>) target(%dma_start3A_23 : memref<64x128xf32, #tpu.memory_space<vmem>>) target_semaphore(%dma_start3A_20 : memref<!tpu.dma_semaphore, #tpu.memory_space<semaphore_mem>>)
    %add3A_26 = arith.constant 64 : i32
    %add3A_27 = arith.addi %mul3A_4, %add3A_26 : i32
    %dma_start3A_28 = arith.constant 1 : i32
    %dma_start3A_29 = arith.constant 64 : i32
    %dma_start3A_30 = arith.constant 0 : i32
    %dma_start3A_31 = tpu.memref_slice %arg7[%dma_start3A_29, %dma_start3A_30] : memref<256x128xf32, #tpu.memory_space<vmem>> -> memref<64x128xf32, #tpu.memory_space<vmem>>
    %dma_start3A_32 = arith.constant 0 : i32
    %dma_start3A_33 = tpu.memref_slice %arg4[%add3A_27, %dma_start3A_32] : memref<2048x128xf32, #tpu.memory_space<hbm>> -> memref<64x128xf32, #tpu.memory_space<hbm>>
    %dma_start3A_34 = tpu.memref_slice %arg9[%dma_start3A_28] : memref<4x!tpu.dma_semaphore, #tpu.memory_space<semaphore_mem>> -> memref<1x!tpu.dma_semaphore, #tpu.memory_space<semaphore_mem>>
    %dma_start3A_35 = tpu.memref_squeeze %dma_start3A_34 : memref<1x!tpu.dma_semaphore, #tpu.memory_space<semaphore_mem>> -> memref<!tpu.dma_semaphore, #tpu.memory_space<semaphore_mem>>
    %dma_start3A_36 = arith.constant 64 : i32
    %dma_start3A_37 = arith.constant 0 : i32
    %dma_start3A_38 = tpu.memref_slice %arg7[%dma_start3A_36, %dma_start3A_37] : memref<256x128xf32, #tpu.memory_space<vmem>> -> memref<64x128xf32, #tpu.memory_space<vmem>>
    %dma_start3A_39 = arith.constant 0 : i32
    %dma_start3A_40 = tpu.memref_slice %arg4[%add3A_27, %dma_start3A_39] : memref<2048x128xf32, #tpu.memory_space<hbm>> -> memref<64x128xf32, #tpu.memory_space<hbm>>
    tpu.enqueue_dma source(%dma_start3A_40 : memref<64x128xf32, #tpu.memory_space<hbm>>) target(%dma_start3A_38 : memref<64x128xf32, #tpu.memory_space<vmem>>) target_semaphore(%dma_start3A_35 : memref<!tpu.dma_semaphore, #tpu.memory_space<semaphore_mem>>)
    %add3A_41 = arith.constant 128 : i32
    %add3A_42 = arith.addi %mul3A_4, %add3A_41 : i32
    %dma_start3A_43 = arith.constant 2 : i32
    %dma_start3A_44 = arith.constant 128 : i32
    %dma_start3A_45 = arith.constant 0 : i32
    %dma_start3A_46 = tpu.memref_slice %arg7[%dma_start3A_44, %dma_start3A_45] : memref<256x128xf32, #tpu.memory_space<vmem>> -> memref<64x128xf32, #tpu.memory_space<vmem>>
    %dma_start3A_47 = arith.constant 0 : i32
    %dma_start3A_48 = tpu.memref_slice %arg4[%add3A_42, %dma_start3A_47] : memref<2048x128xf32, #tpu.memory_space<hbm>> -> memref<64x128xf32, #tpu.memory_space<hbm>>
    %dma_start3A_49 = tpu.memref_slice %arg9[%dma_start3A_43] : memref<4x!tpu.dma_semaphore, #tpu.memory_space<semaphore_mem>> -> memref<1x!tpu.dma_semaphore, #tpu.memory_space<semaphore_mem>>
    %dma_start3A_50 = tpu.memref_squeeze %dma_start3A_49 : memref<1x!tpu.dma_semaphore, #tpu.memory_space<semaphore_mem>> -> memref<!tpu.dma_semaphore, #tpu.memory_space<semaphore_mem>>
    %dma_start3A_51 = arith.constant 128 : i32
    %dma_start3A_52 = arith.constant 0 : i32
    %dma_start3A_53 = tpu.memref_slice %arg7[%dma_start3A_51, %dma_start3A_52] : memref<256x128xf32, #tpu.memory_space<vmem>> -> memref<64x128xf32, #tpu.memory_space<vmem>>
    %dma_start3A_54 = arith.constant 0 : i32
    %dma_start3A_55 = tpu.memref_slice %arg4[%add3A_42, %dma_start3A_54] : memref<2048x128xf32, #tpu.memory_space<hbm>> -> memref<64x128xf32, #tpu.memory_space<hbm>>
    tpu.enqueue_dma source(%dma_start3A_55 : memref<64x128xf32, #tpu.memory_space<hbm>>) target(%dma_start3A_53 : memref<64x128xf32, #tpu.memory_space<vmem>>) target_semaphore(%dma_start3A_50 : memref<!tpu.dma_semaphore, #tpu.memory_space<semaphore_mem>>)
    %add3A_56 = arith.constant 192 : i32
    %add3A_57 = arith.addi %mul3A_4, %add3A_56 : i32
    %dma_start3A_58 = arith.constant 3 : i32
    %dma_start3A_59 = arith.constant 192 : i32
    %dma_start3A_60 = arith.constant 0 : i32
    %dma_start3A_61 = tpu.memref_slice %arg7[%dma_start3A_59, %dma_start3A_60] : memref<256x128xf32, #tpu.memory_space<vmem>> -> memref<64x128xf32, #tpu.memory_space<vmem>>
    %dma_start3A_62 = arith.constant 0 : i32
    %dma_start3A_63 = tpu.memref_slice %arg4[%add3A_57, %dma_start3A_62] : memref<2048x128xf32, #tpu.memory_space<hbm>> -> memref<64x128xf32, #tpu.memory_space<hbm>>
    %dma_start3A_64 = tpu.memref_slice %arg9[%dma_start3A_58] : memref<4x!tpu.dma_semaphore, #tpu.memory_space<semaphore_mem>> -> memref<1x!tpu.dma_semaphore, #tpu.memory_space<semaphore_mem>>
    %dma_start3A_65 = tpu.memref_squeeze %dma_start3A_64 : memref<1x!tpu.dma_semaphore, #tpu.memory_space<semaphore_mem>> -> memref<!tpu.dma_semaphore, #tpu.memory_space<semaphore_mem>>
    %dma_start3A_66 = arith.constant 192 : i32
    %dma_start3A_67 = arith.constant 0 : i32
    %dma_start3A_68 = tpu.memref_slice %arg7[%dma_start3A_66, %dma_start3A_67] : memref<256x128xf32, #tpu.memory_space<vmem>> -> memref<64x128xf32, #tpu.memory_space<vmem>>
    %dma_start3A_69 = arith.constant 0 : i32
    %dma_start3A_70 = tpu.memref_slice %arg4[%add3A_57, %dma_start3A_69] : memref<2048x128xf32, #tpu.memory_space<hbm>> -> memref<64x128xf32, #tpu.memory_space<hbm>>
    tpu.enqueue_dma source(%dma_start3A_70 : memref<64x128xf32, #tpu.memory_space<hbm>>) target(%dma_start3A_68 : memref<64x128xf32, #tpu.memory_space<vmem>>) target_semaphore(%dma_start3A_65 : memref<!tpu.dma_semaphore, #tpu.memory_space<semaphore_mem>>)
    %dma_wait3A = arith.constant 0 : i32
    %dma_wait3A_71 = tpu.memref_slice %arg2[%div3A_1, %mul3A_4] : memref<4x2048xi32, #tpu.memory_space<hbm>> -> memref<1x256xi32, #tpu.memory_space<hbm>>
    %dma_wait3A_72 = tpu.memref_squeeze %dma_wait3A_71 : memref<1x256xi32, #tpu.memory_space<hbm>> -> memref<256xi32, #tpu.memory_space<hbm>>
    %dma_wait3A_73 = tpu.memref_slice %arg8[%dma_wait3A] : memref<1x!tpu.dma_semaphore, #tpu.memory_space<semaphore_mem>> -> memref<1x!tpu.dma_semaphore, #tpu.memory_space<semaphore_mem>>
    %dma_wait3A_74 = tpu.memref_squeeze %dma_wait3A_73 : memref<1x!tpu.dma_semaphore, #tpu.memory_space<semaphore_mem>> -> memref<!tpu.dma_semaphore, #tpu.memory_space<semaphore_mem>>
    %dma_wait3A_75 = tpu.memref_slice %arg2[%div3A_1, %mul3A_4] : memref<4x2048xi32, #tpu.memory_space<hbm>> -> memref<1x256xi32, #tpu.memory_space<hbm>>
    %dma_wait3A_76 = tpu.memref_squeeze %dma_wait3A_75 : memref<1x256xi32, #tpu.memory_space<hbm>> -> memref<256xi32, #tpu.memory_space<hbm>>
    tpu.wait_dma2 semaphore(%dma_wait3A_74 : memref<!tpu.dma_semaphore, #tpu.memory_space<semaphore_mem>>) src(%dma_wait3A_76 : memref<256xi32, #tpu.memory_space<hbm>>) dst(%arg6 : memref<256xi32, #tpu.memory_space<vmem>>)
    %dma_wait3A_77 = arith.constant 0 : i32
    %dma_wait3A_78 = arith.constant 0 : i32
    %dma_wait3A_79 = arith.constant 0 : i32
    %dma_wait3A_80 = tpu.memref_slice %arg7[%dma_wait3A_78, %dma_wait3A_79] : memref<256x128xf32, #tpu.memory_space<vmem>> -> memref<64x128xf32, #tpu.memory_space<vmem>>
    %dma_wait3A_81 = arith.constant 0 : i32
    %dma_wait3A_82 = tpu.memref_slice %arg4[%add3A_12, %dma_wait3A_81] : memref<2048x128xf32, #tpu.memory_space<hbm>> -> memref<64x128xf32, #tpu.memory_space<hbm>>
    %dma_wait3A_83 = tpu.memref_slice %arg9[%dma_wait3A_77] : memref<4x!tpu.dma_semaphore, #tpu.memory_space<semaphore_mem>> -> memref<1x!tpu.dma_semaphore, #tpu.memory_space<semaphore_mem>>
    %dma_wait3A_84 = tpu.memref_squeeze %dma_wait3A_83 : memref<1x!tpu.dma_semaphore, #tpu.memory_space<semaphore_mem>> -> memref<!tpu.dma_semaphore, #tpu.memory_space<semaphore_mem>>
    %dma_wait3A_85 = arith.constant 0 : i32
    %dma_wait3A_86 = arith.constant 0 : i32
    %dma_wait3A_87 = tpu.memref_slice %arg7[%dma_wait3A_85, %dma_wait3A_86] : memref<256x128xf32, #tpu.memory_space<vmem>> -> memref<64x128xf32, #tpu.memory_space<vmem>>
    %dma_wait3A_88 = arith.constant 0 : i32
    %dma_wait3A_89 = tpu.memref_slice %arg4[%add3A_12, %dma_wait3A_88] : memref<2048x128xf32, #tpu.memory_space<hbm>> -> memref<64x128xf32, #tpu.memory_space<hbm>>
    tpu.wait_dma2 semaphore(%dma_wait3A_84 : memref<!tpu.dma_semaphore, #tpu.memory_space<semaphore_mem>>) src(%dma_wait3A_89 : memref<64x128xf32, #tpu.memory_space<hbm>>) dst(%dma_wait3A_87 : memref<64x128xf32, #tpu.memory_space<vmem>>)
    %dma_start3A_90 = arith.constant 0 : i32
    %dma_start3A_91 = arith.constant 0 : i32
    %dma_start3A_92 = arith.constant 0 : i32
    %dma_start3A_93 = tpu.memref_slice %arg7[%dma_start3A_91, %dma_start3A_92] : memref<256x128xf32, #tpu.memory_space<vmem>> -> memref<64x128xf32, #tpu.memory_space<vmem>>
    %dma_start3A_94 = arith.constant 0 : i32
    %dma_start3A_95 = tpu.memref_slice %arg6[%dma_start3A_94] : memref<256xi32, #tpu.memory_space<vmem>> -> memref<64xi32, #tpu.memory_space<vmem>>
    %dma_start3A_96 = arith.constant 0 : i32
    %dma_start3A_97 = arith.constant 0 : i32
    %dma_start3A_98 = tpu.memref_slice %arg3[%dma_start3A_96, %dma_start3A_97] : memref<100000x128xf32, #tpu.memory_space<hbm>> -> memref<100000x128xf32, #tpu.memory_space<hbm>>
    %dma_start3A_99 = tpu.memref_slice %arg10[%dma_start3A_90] : memref<4x!tpu.dma_semaphore, #tpu.memory_space<semaphore_mem>> -> memref<1x!tpu.dma_semaphore, #tpu.memory_space<semaphore_mem>>
    %dma_start3A_100 = tpu.memref_squeeze %dma_start3A_99 : memref<1x!tpu.dma_semaphore, #tpu.memory_space<semaphore_mem>> -> memref<!tpu.dma_semaphore, #tpu.memory_space<semaphore_mem>>
    tpu.enqueue_indirect_dma source(%dma_start3A_98 : memref<100000x128xf32, #tpu.memory_space<hbm>>) target(%dma_start3A_93 : memref<64x128xf32, #tpu.memory_space<vmem>>) offsets(%dma_start3A_95 : memref<64xi32, #tpu.memory_space<vmem>>) semaphore(%dma_start3A_100 : memref<!tpu.dma_semaphore, #tpu.memory_space<semaphore_mem>>) {add = true}
    %dma_wait3A_101 = arith.constant 1 : i32
    %dma_wait3A_102 = arith.constant 64 : i32
    %dma_wait3A_103 = arith.constant 0 : i32
    %dma_wait3A_104 = tpu.memref_slice %arg7[%dma_wait3A_102, %dma_wait3A_103] : memref<256x128xf32, #tpu.memory_space<vmem>> -> memref<64x128xf32, #tpu.memory_space<vmem>>
    %dma_wait3A_105 = arith.constant 0 : i32
    %dma_wait3A_106 = tpu.memref_slice %arg4[%add3A_27, %dma_wait3A_105] : memref<2048x128xf32, #tpu.memory_space<hbm>> -> memref<64x128xf32, #tpu.memory_space<hbm>>
    %dma_wait3A_107 = tpu.memref_slice %arg9[%dma_wait3A_101] : memref<4x!tpu.dma_semaphore, #tpu.memory_space<semaphore_mem>> -> memref<1x!tpu.dma_semaphore, #tpu.memory_space<semaphore_mem>>
    %dma_wait3A_108 = tpu.memref_squeeze %dma_wait3A_107 : memref<1x!tpu.dma_semaphore, #tpu.memory_space<semaphore_mem>> -> memref<!tpu.dma_semaphore, #tpu.memory_space<semaphore_mem>>
    %dma_wait3A_109 = arith.constant 64 : i32
    %dma_wait3A_110 = arith.constant 0 : i32
    %dma_wait3A_111 = tpu.memref_slice %arg7[%dma_wait3A_109, %dma_wait3A_110] : memref<256x128xf32, #tpu.memory_space<vmem>> -> memref<64x128xf32, #tpu.memory_space<vmem>>
    %dma_wait3A_112 = arith.constant 0 : i32
    %dma_wait3A_113 = tpu.memref_slice %arg4[%add3A_27, %dma_wait3A_112] : memref<2048x128xf32, #tpu.memory_space<hbm>> -> memref<64x128xf32, #tpu.memory_space<hbm>>
    tpu.wait_dma2 semaphore(%dma_wait3A_108 : memref<!tpu.dma_semaphore, #tpu.memory_space<semaphore_mem>>) src(%dma_wait3A_113 : memref<64x128xf32, #tpu.memory_space<hbm>>) dst(%dma_wait3A_111 : memref<64x128xf32, #tpu.memory_space<vmem>>)
    %dma_start3A_114 = arith.constant 1 : i32
    %dma_start3A_115 = arith.constant 64 : i32
    %dma_start3A_116 = arith.constant 0 : i32
    %dma_start3A_117 = tpu.memref_slice %arg7[%dma_start3A_115, %dma_start3A_116] : memref<256x128xf32, #tpu.memory_space<vmem>> -> memref<64x128xf32, #tpu.memory_space<vmem>>
    %dma_start3A_118 = arith.constant 64 : i32
    %dma_start3A_119 = tpu.memref_slice %arg6[%dma_start3A_118] : memref<256xi32, #tpu.memory_space<vmem>> -> memref<64xi32, #tpu.memory_space<vmem>>
    %dma_start3A_120 = arith.constant 0 : i32
    %dma_start3A_121 = arith.constant 0 : i32
    %dma_start3A_122 = tpu.memref_slice %arg3[%dma_start3A_120, %dma_start3A_121] : memref<100000x128xf32, #tpu.memory_space<hbm>> -> memref<100000x128xf32, #tpu.memory_space<hbm>>
    %dma_start3A_123 = tpu.memref_slice %arg10[%dma_start3A_114] : memref<4x!tpu.dma_semaphore, #tpu.memory_space<semaphore_mem>> -> memref<1x!tpu.dma_semaphore, #tpu.memory_space<semaphore_mem>>
    %dma_start3A_124 = tpu.memref_squeeze %dma_start3A_123 : memref<1x!tpu.dma_semaphore, #tpu.memory_space<semaphore_mem>> -> memref<!tpu.dma_semaphore, #tpu.memory_space<semaphore_mem>>
    tpu.enqueue_indirect_dma source(%dma_start3A_122 : memref<100000x128xf32, #tpu.memory_space<hbm>>) target(%dma_start3A_117 : memref<64x128xf32, #tpu.memory_space<vmem>>) offsets(%dma_start3A_119 : memref<64xi32, #tpu.memory_space<vmem>>) semaphore(%dma_start3A_124 : memref<!tpu.dma_semaphore, #tpu.memory_space<semaphore_mem>>) {add = true}
    %dma_wait3A_125 = arith.constant 2 : i32
    %dma_wait3A_126 = arith.constant 128 : i32
    %dma_wait3A_127 = arith.constant 0 : i32
    %dma_wait3A_128 = tpu.memref_slice %arg7[%dma_wait3A_126, %dma_wait3A_127] : memref<256x128xf32, #tpu.memory_space<vmem>> -> memref<64x128xf32, #tpu.memory_space<vmem>>
    %dma_wait3A_129 = arith.constant 0 : i32
    %dma_wait3A_130 = tpu.memref_slice %arg4[%add3A_42, %dma_wait3A_129] : memref<2048x128xf32, #tpu.memory_space<hbm>> -> memref<64x128xf32, #tpu.memory_space<hbm>>
    %dma_wait3A_131 = tpu.memref_slice %arg9[%dma_wait3A_125] : memref<4x!tpu.dma_semaphore, #tpu.memory_space<semaphore_mem>> -> memref<1x!tpu.dma_semaphore, #tpu.memory_space<semaphore_mem>>
    %dma_wait3A_132 = tpu.memref_squeeze %dma_wait3A_131 : memref<1x!tpu.dma_semaphore, #tpu.memory_space<semaphore_mem>> -> memref<!tpu.dma_semaphore, #tpu.memory_space<semaphore_mem>>
    %dma_wait3A_133 = arith.constant 128 : i32
    %dma_wait3A_134 = arith.constant 0 : i32
    %dma_wait3A_135 = tpu.memref_slice %arg7[%dma_wait3A_133, %dma_wait3A_134] : memref<256x128xf32, #tpu.memory_space<vmem>> -> memref<64x128xf32, #tpu.memory_space<vmem>>
    %dma_wait3A_136 = arith.constant 0 : i32
    %dma_wait3A_137 = tpu.memref_slice %arg4[%add3A_42, %dma_wait3A_136] : memref<2048x128xf32, #tpu.memory_space<hbm>> -> memref<64x128xf32, #tpu.memory_space<hbm>>
    tpu.wait_dma2 semaphore(%dma_wait3A_132 : memref<!tpu.dma_semaphore, #tpu.memory_space<semaphore_mem>>) src(%dma_wait3A_137 : memref<64x128xf32, #tpu.memory_space<hbm>>) dst(%dma_wait3A_135 : memref<64x128xf32, #tpu.memory_space<vmem>>)
    %dma_start3A_138 = arith.constant 2 : i32
    %dma_start3A_139 = arith.constant 128 : i32
    %dma_start3A_140 = arith.constant 0 : i32
    %dma_start3A_141 = tpu.memref_slice %arg7[%dma_start3A_139, %dma_start3A_140] : memref<256x128xf32, #tpu.memory_space<vmem>> -> memref<64x128xf32, #tpu.memory_space<vmem>>
    %dma_start3A_142 = arith.constant 128 : i32
    %dma_start3A_143 = tpu.memref_slice %arg6[%dma_start3A_142] : memref<256xi32, #tpu.memory_space<vmem>> -> memref<64xi32, #tpu.memory_space<vmem>>
    %dma_start3A_144 = arith.constant 0 : i32
    %dma_start3A_145 = arith.constant 0 : i32
    %dma_start3A_146 = tpu.memref_slice %arg3[%dma_start3A_144, %dma_start3A_145] : memref<100000x128xf32, #tpu.memory_space<hbm>> -> memref<100000x128xf32, #tpu.memory_space<hbm>>
    %dma_start3A_147 = tpu.memref_slice %arg10[%dma_start3A_138] : memref<4x!tpu.dma_semaphore, #tpu.memory_space<semaphore_mem>> -> memref<1x!tpu.dma_semaphore, #tpu.memory_space<semaphore_mem>>
    %dma_start3A_148 = tpu.memref_squeeze %dma_start3A_147 : memref<1x!tpu.dma_semaphore, #tpu.memory_space<semaphore_mem>> -> memref<!tpu.dma_semaphore, #tpu.memory_space<semaphore_mem>>
    tpu.enqueue_indirect_dma source(%dma_start3A_146 : memref<100000x128xf32, #tpu.memory_space<hbm>>) target(%dma_start3A_141 : memref<64x128xf32, #tpu.memory_space<vmem>>) offsets(%dma_start3A_143 : memref<64xi32, #tpu.memory_space<vmem>>) semaphore(%dma_start3A_148 : memref<!tpu.dma_semaphore, #tpu.memory_space<semaphore_mem>>) {add = true}
    %dma_wait3A_149 = arith.constant 3 : i32
    %dma_wait3A_150 = arith.constant 192 : i32
    %dma_wait3A_151 = arith.constant 0 : i32
    %dma_wait3A_152 = tpu.memref_slice %arg7[%dma_wait3A_150, %dma_wait3A_151] : memref<256x128xf32, #tpu.memory_space<vmem>> -> memref<64x128xf32, #tpu.memory_space<vmem>>
    %dma_wait3A_153 = arith.constant 0 : i32
    %dma_wait3A_154 = tpu.memref_slice %arg4[%add3A_57, %dma_wait3A_153] : memref<2048x128xf32, #tpu.memory_space<hbm>> -> memref<64x128xf32, #tpu.memory_space<hbm>>
    %dma_wait3A_155 = tpu.memref_slice %arg9[%dma_wait3A_149] : memref<4x!tpu.dma_semaphore, #tpu.memory_space<semaphore_mem>> -> memref<1x!tpu.dma_semaphore, #tpu.memory_space<semaphore_mem>>
    %dma_wait3A_156 = tpu.memref_squeeze %dma_wait3A_155 : memref<1x!tpu.dma_semaphore, #tpu.memory_space<semaphore_mem>> -> memref<!tpu.dma_semaphore, #tpu.memory_space<semaphore_mem>>
    %dma_wait3A_157 = arith.constant 192 : i32
    %dma_wait3A_158 = arith.constant 0 : i32
    %dma_wait3A_159 = tpu.memref_slice %arg7[%dma_wait3A_157, %dma_wait3A_158] : memref<256x128xf32, #tpu.memory_space<vmem>> -> memref<64x128xf32, #tpu.memory_space<vmem>>
    %dma_wait3A_160 = arith.constant 0 : i32
    %dma_wait3A_161 = tpu.memref_slice %arg4[%add3A_57, %dma_wait3A_160] : memref<2048x128xf32, #tpu.memory_space<hbm>> -> memref<64x128xf32, #tpu.memory_space<hbm>>
    tpu.wait_dma2 semaphore(%dma_wait3A_156 : memref<!tpu.dma_semaphore, #tpu.memory_space<semaphore_mem>>) src(%dma_wait3A_161 : memref<64x128xf32, #tpu.memory_space<hbm>>) dst(%dma_wait3A_159 : memref<64x128xf32, #tpu.memory_space<vmem>>)
    %dma_start3A_162 = arith.constant 3 : i32
    %dma_start3A_163 = arith.constant 192 : i32
    %dma_start3A_164 = arith.constant 0 : i32
    %dma_start3A_165 = tpu.memref_slice %arg7[%dma_start3A_163, %dma_start3A_164] : memref<256x128xf32, #tpu.memory_space<vmem>> -> memref<64x128xf32, #tpu.memory_space<vmem>>
    %dma_start3A_166 = arith.constant 192 : i32
    %dma_start3A_167 = tpu.memref_slice %arg6[%dma_start3A_166] : memref<256xi32, #tpu.memory_space<vmem>> -> memref<64xi32, #tpu.memory_space<vmem>>
    %dma_start3A_168 = arith.constant 0 : i32
    %dma_start3A_169 = arith.constant 0 : i32
    %dma_start3A_170 = tpu.memref_slice %arg3[%dma_start3A_168, %dma_start3A_169] : memref<100000x128xf32, #tpu.memory_space<hbm>> -> memref<100000x128xf32, #tpu.memory_space<hbm>>
    %dma_start3A_171 = tpu.memref_slice %arg10[%dma_start3A_162] : memref<4x!tpu.dma_semaphore, #tpu.memory_space<semaphore_mem>> -> memref<1x!tpu.dma_semaphore, #tpu.memory_space<semaphore_mem>>
    %dma_start3A_172 = tpu.memref_squeeze %dma_start3A_171 : memref<1x!tpu.dma_semaphore, #tpu.memory_space<semaphore_mem>> -> memref<!tpu.dma_semaphore, #tpu.memory_space<semaphore_mem>>
    tpu.enqueue_indirect_dma source(%dma_start3A_170 : memref<100000x128xf32, #tpu.memory_space<hbm>>) target(%dma_start3A_165 : memref<64x128xf32, #tpu.memory_space<vmem>>) offsets(%dma_start3A_167 : memref<64xi32, #tpu.memory_space<vmem>>) semaphore(%dma_start3A_172 : memref<!tpu.dma_semaphore, #tpu.memory_space<semaphore_mem>>) {add = true}
    %dma_wait3A_173 = arith.constant 0 : i32
    %dma_wait3A_174 = arith.constant 0 : i32
    %dma_wait3A_175 = arith.constant 0 : i32
    %dma_wait3A_176 = tpu.memref_slice %arg7[%dma_wait3A_174, %dma_wait3A_175] : memref<256x128xf32, #tpu.memory_space<vmem>> -> memref<64x128xf32, #tpu.memory_space<vmem>>
    %dma_wait3A_177 = arith.constant 0 : i32
    %dma_wait3A_178 = tpu.memref_slice %arg6[%dma_wait3A_177] : memref<256xi32, #tpu.memory_space<vmem>> -> memref<64xi32, #tpu.memory_space<vmem>>
    %dma_wait3A_179 = arith.constant 0 : i32
    %dma_wait3A_180 = arith.constant 0 : i32
    %dma_wait3A_181 = tpu.memref_slice %arg3[%dma_wait3A_179, %dma_wait3A_180] : memref<100000x128xf32, #tpu.memory_space<hbm>> -> memref<100000x128xf32, #tpu.memory_space<hbm>>
    %dma_wait3A_182 = tpu.memref_slice %arg10[%dma_wait3A_173] : memref<4x!tpu.dma_semaphore, #tpu.memory_space<semaphore_mem>> -> memref<1x!tpu.dma_semaphore, #tpu.memory_space<semaphore_mem>>
    %dma_wait3A_183 = tpu.memref_squeeze %dma_wait3A_182 : memref<1x!tpu.dma_semaphore, #tpu.memory_space<semaphore_mem>> -> memref<!tpu.dma_semaphore, #tpu.memory_space<semaphore_mem>>
    tpu.wait_indirect_dma semaphore(%dma_wait3A_183 : memref<!tpu.dma_semaphore, #tpu.memory_space<semaphore_mem>>) src(%dma_wait3A_181 : memref<100000x128xf32, #tpu.memory_space<hbm>>) dst(%dma_wait3A_176 : memref<64x128xf32, #tpu.memory_space<vmem>>)
    %add3A_184 = arith.constant 0 : i32
    %add3A_185 = arith.addi %mul3A_4, %add3A_184 : i32
    %dma_start3A_186 = arith.constant 0 : i32
    %dma_start3A_187 = arith.constant 0 : i32
    %dma_start3A_188 = arith.constant 0 : i32
    %dma_start3A_189 = tpu.memref_slice %arg7[%dma_start3A_187, %dma_start3A_188] : memref<256x128xf32, #tpu.memory_space<vmem>> -> memref<64x128xf32, #tpu.memory_space<vmem>>
    %dma_start3A_190 = arith.constant 0 : i32
    %dma_start3A_191 = tpu.memref_slice %arg5[%div3A_1, %add3A_185, %dma_start3A_190] : memref<4x2048x128xf32, #tpu.memory_space<hbm>> -> memref<1x64x128xf32, #tpu.memory_space<hbm>>
    %dma_start3A_192 = tpu.memref_squeeze %dma_start3A_191 : memref<1x64x128xf32, #tpu.memory_space<hbm>> -> memref<64x128xf32, #tpu.memory_space<hbm>>
    %dma_start3A_193 = tpu.memref_slice %arg11[%dma_start3A_186] : memref<4x!tpu.dma_semaphore, #tpu.memory_space<semaphore_mem>> -> memref<1x!tpu.dma_semaphore, #tpu.memory_space<semaphore_mem>>
    %dma_start3A_194 = tpu.memref_squeeze %dma_start3A_193 : memref<1x!tpu.dma_semaphore, #tpu.memory_space<semaphore_mem>> -> memref<!tpu.dma_semaphore, #tpu.memory_space<semaphore_mem>>
    %dma_start3A_195 = arith.constant 0 : i32
    %dma_start3A_196 = tpu.memref_slice %arg5[%div3A_1, %add3A_185, %dma_start3A_195] : memref<4x2048x128xf32, #tpu.memory_space<hbm>> -> memref<1x64x128xf32, #tpu.memory_space<hbm>>
    %dma_start3A_197 = tpu.memref_squeeze %dma_start3A_196 : memref<1x64x128xf32, #tpu.memory_space<hbm>> -> memref<64x128xf32, #tpu.memory_space<hbm>>
    %dma_start3A_198 = arith.constant 0 : i32
    %dma_start3A_199 = arith.constant 0 : i32
    %dma_start3A_200 = tpu.memref_slice %arg7[%dma_start3A_198, %dma_start3A_199] : memref<256x128xf32, #tpu.memory_space<vmem>> -> memref<64x128xf32, #tpu.memory_space<vmem>>
    tpu.enqueue_dma source(%dma_start3A_200 : memref<64x128xf32, #tpu.memory_space<vmem>>) target(%dma_start3A_197 : memref<64x128xf32, #tpu.memory_space<hbm>>) target_semaphore(%dma_start3A_194 : memref<!tpu.dma_semaphore, #tpu.memory_space<semaphore_mem>>)
    %dma_wait3A_201 = arith.constant 1 : i32
    %dma_wait3A_202 = arith.constant 64 : i32
    %dma_wait3A_203 = arith.constant 0 : i32
    %dma_wait3A_204 = tpu.memref_slice %arg7[%dma_wait3A_202, %dma_wait3A_203] : memref<256x128xf32, #tpu.memory_space<vmem>> -> memref<64x128xf32, #tpu.memory_space<vmem>>
    %dma_wait3A_205 = arith.constant 64 : i32
    %dma_wait3A_206 = tpu.memref_slice %arg6[%dma_wait3A_205] : memref<256xi32, #tpu.memory_space<vmem>> -> memref<64xi32, #tpu.memory_space<vmem>>
    %dma_wait3A_207 = arith.constant 0 : i32
    %dma_wait3A_208 = arith.constant 0 : i32
    %dma_wait3A_209 = tpu.memref_slice %arg3[%dma_wait3A_207, %dma_wait3A_208] : memref<100000x128xf32, #tpu.memory_space<hbm>> -> memref<100000x128xf32, #tpu.memory_space<hbm>>
    %dma_wait3A_210 = tpu.memref_slice %arg10[%dma_wait3A_201] : memref<4x!tpu.dma_semaphore, #tpu.memory_space<semaphore_mem>> -> memref<1x!tpu.dma_semaphore, #tpu.memory_space<semaphore_mem>>
    %dma_wait3A_211 = tpu.memref_squeeze %dma_wait3A_210 : memref<1x!tpu.dma_semaphore, #tpu.memory_space<semaphore_mem>> -> memref<!tpu.dma_semaphore, #tpu.memory_space<semaphore_mem>>
    tpu.wait_indirect_dma semaphore(%dma_wait3A_211 : memref<!tpu.dma_semaphore, #tpu.memory_space<semaphore_mem>>) src(%dma_wait3A_209 : memref<100000x128xf32, #tpu.memory_space<hbm>>) dst(%dma_wait3A_204 : memref<64x128xf32, #tpu.memory_space<vmem>>)
    %add3A_212 = arith.constant 64 : i32
    %add3A_213 = arith.addi %mul3A_4, %add3A_212 : i32
    %dma_start3A_214 = arith.constant 1 : i32
    %dma_start3A_215 = arith.constant 64 : i32
    %dma_start3A_216 = arith.constant 0 : i32
    %dma_start3A_217 = tpu.memref_slice %arg7[%dma_start3A_215, %dma_start3A_216] : memref<256x128xf32, #tpu.memory_space<vmem>> -> memref<64x128xf32, #tpu.memory_space<vmem>>
    %dma_start3A_218 = arith.constant 0 : i32
    %dma_start3A_219 = tpu.memref_slice %arg5[%div3A_1, %add3A_213, %dma_start3A_218] : memref<4x2048x128xf32, #tpu.memory_space<hbm>> -> memref<1x64x128xf32, #tpu.memory_space<hbm>>
    %dma_start3A_220 = tpu.memref_squeeze %dma_start3A_219 : memref<1x64x128xf32, #tpu.memory_space<hbm>> -> memref<64x128xf32, #tpu.memory_space<hbm>>
    %dma_start3A_221 = tpu.memref_slice %arg11[%dma_start3A_214] : memref<4x!tpu.dma_semaphore, #tpu.memory_space<semaphore_mem>> -> memref<1x!tpu.dma_semaphore, #tpu.memory_space<semaphore_mem>>
    %dma_start3A_222 = tpu.memref_squeeze %dma_start3A_221 : memref<1x!tpu.dma_semaphore, #tpu.memory_space<semaphore_mem>> -> memref<!tpu.dma_semaphore, #tpu.memory_space<semaphore_mem>>
    %dma_start3A_223 = arith.constant 0 : i32
    %dma_start3A_224 = tpu.memref_slice %arg5[%div3A_1, %add3A_213, %dma_start3A_223] : memref<4x2048x128xf32, #tpu.memory_space<hbm>> -> memref<1x64x128xf32, #tpu.memory_space<hbm>>
    %dma_start3A_225 = tpu.memref_squeeze %dma_start3A_224 : memref<1x64x128xf32, #tpu.memory_space<hbm>> -> memref<64x128xf32, #tpu.memory_space<hbm>>
    %dma_start3A_226 = arith.constant 64 : i32
    %dma_start3A_227 = arith.constant 0 : i32
    %dma_start3A_228 = tpu.memref_slice %arg7[%dma_start3A_226, %dma_start3A_227] : memref<256x128xf32, #tpu.memory_space<vmem>> -> memref<64x128xf32, #tpu.memory_space<vmem>>
    tpu.enqueue_dma source(%dma_start3A_228 : memref<64x128xf32, #tpu.memory_space<vmem>>) target(%dma_start3A_225 : memref<64x128xf32, #tpu.memory_space<hbm>>) target_semaphore(%dma_start3A_222 : memref<!tpu.dma_semaphore, #tpu.memory_space<semaphore_mem>>)
    %dma_wait3A_229 = arith.constant 2 : i32
    %dma_wait3A_230 = arith.constant 128 : i32
    %dma_wait3A_231 = arith.constant 0 : i32
    %dma_wait3A_232 = tpu.memref_slice %arg7[%dma_wait3A_230, %dma_wait3A_231] : memref<256x128xf32, #tpu.memory_space<vmem>> -> memref<64x128xf32, #tpu.memory_space<vmem>>
    %dma_wait3A_233 = arith.constant 128 : i32
    %dma_wait3A_234 = tpu.memref_slice %arg6[%dma_wait3A_233] : memref<256xi32, #tpu.memory_space<vmem>> -> memref<64xi32, #tpu.memory_space<vmem>>
    %dma_wait3A_235 = arith.constant 0 : i32
    %dma_wait3A_236 = arith.constant 0 : i32
    %dma_wait3A_237 = tpu.memref_slice %arg3[%dma_wait3A_235, %dma_wait3A_236] : memref<100000x128xf32, #tpu.memory_space<hbm>> -> memref<100000x128xf32, #tpu.memory_space<hbm>>
    %dma_wait3A_238 = tpu.memref_slice %arg10[%dma_wait3A_229] : memref<4x!tpu.dma_semaphore, #tpu.memory_space<semaphore_mem>> -> memref<1x!tpu.dma_semaphore, #tpu.memory_space<semaphore_mem>>
    %dma_wait3A_239 = tpu.memref_squeeze %dma_wait3A_238 : memref<1x!tpu.dma_semaphore, #tpu.memory_space<semaphore_mem>> -> memref<!tpu.dma_semaphore, #tpu.memory_space<semaphore_mem>>
    tpu.wait_indirect_dma semaphore(%dma_wait3A_239 : memref<!tpu.dma_semaphore, #tpu.memory_space<semaphore_mem>>) src(%dma_wait3A_237 : memref<100000x128xf32, #tpu.memory_space<hbm>>) dst(%dma_wait3A_232 : memref<64x128xf32, #tpu.memory_space<vmem>>)
    %add3A_240 = arith.constant 128 : i32
    %add3A_241 = arith.addi %mul3A_4, %add3A_240 : i32
    %dma_start3A_242 = arith.constant 2 : i32
    %dma_start3A_243 = arith.constant 128 : i32
    %dma_start3A_244 = arith.constant 0 : i32
    %dma_start3A_245 = tpu.memref_slice %arg7[%dma_start3A_243, %dma_start3A_244] : memref<256x128xf32, #tpu.memory_space<vmem>> -> memref<64x128xf32, #tpu.memory_space<vmem>>
    %dma_start3A_246 = arith.constant 0 : i32
    %dma_start3A_247 = tpu.memref_slice %arg5[%div3A_1, %add3A_241, %dma_start3A_246] : memref<4x2048x128xf32, #tpu.memory_space<hbm>> -> memref<1x64x128xf32, #tpu.memory_space<hbm>>
    %dma_start3A_248 = tpu.memref_squeeze %dma_start3A_247 : memref<1x64x128xf32, #tpu.memory_space<hbm>> -> memref<64x128xf32, #tpu.memory_space<hbm>>
    %dma_start3A_249 = tpu.memref_slice %arg11[%dma_start3A_242] : memref<4x!tpu.dma_semaphore, #tpu.memory_space<semaphore_mem>> -> memref<1x!tpu.dma_semaphore, #tpu.memory_space<semaphore_mem>>
    %dma_start3A_250 = tpu.memref_squeeze %dma_start3A_249 : memref<1x!tpu.dma_semaphore, #tpu.memory_space<semaphore_mem>> -> memref<!tpu.dma_semaphore, #tpu.memory_space<semaphore_mem>>
    %dma_start3A_251 = arith.constant 0 : i32
    %dma_start3A_252 = tpu.memref_slice %arg5[%div3A_1, %add3A_241, %dma_start3A_251] : memref<4x2048x128xf32, #tpu.memory_space<hbm>> -> memref<1x64x128xf32, #tpu.memory_space<hbm>>
    %dma_start3A_253 = tpu.memref_squeeze %dma_start3A_252 : memref<1x64x128xf32, #tpu.memory_space<hbm>> -> memref<64x128xf32, #tpu.memory_space<hbm>>
    %dma_start3A_254 = arith.constant 128 : i32
    %dma_start3A_255 = arith.constant 0 : i32
    %dma_start3A_256 = tpu.memref_slice %arg7[%dma_start3A_254, %dma_start3A_255] : memref<256x128xf32, #tpu.memory_space<vmem>> -> memref<64x128xf32, #tpu.memory_space<vmem>>
    tpu.enqueue_dma source(%dma_start3A_256 : memref<64x128xf32, #tpu.memory_space<vmem>>) target(%dma_start3A_253 : memref<64x128xf32, #tpu.memory_space<hbm>>) target_semaphore(%dma_start3A_250 : memref<!tpu.dma_semaphore, #tpu.memory_space<semaphore_mem>>)
    %dma_wait3A_257 = arith.constant 3 : i32
    %dma_wait3A_258 = arith.constant 192 : i32
    %dma_wait3A_259 = arith.constant 0 : i32
    %dma_wait3A_260 = tpu.memref_slice %arg7[%dma_wait3A_258, %dma_wait3A_259] : memref<256x128xf32, #tpu.memory_space<vmem>> -> memref<64x128xf32, #tpu.memory_space<vmem>>
    %dma_wait3A_261 = arith.constant 192 : i32
    %dma_wait3A_262 = tpu.memref_slice %arg6[%dma_wait3A_261] : memref<256xi32, #tpu.memory_space<vmem>> -> memref<64xi32, #tpu.memory_space<vmem>>
    %dma_wait3A_263 = arith.constant 0 : i32
    %dma_wait3A_264 = arith.constant 0 : i32
    %dma_wait3A_265 = tpu.memref_slice %arg3[%dma_wait3A_263, %dma_wait3A_264] : memref<100000x128xf32, #tpu.memory_space<hbm>> -> memref<100000x128xf32, #tpu.memory_space<hbm>>
    %dma_wait3A_266 = tpu.memref_slice %arg10[%dma_wait3A_257] : memref<4x!tpu.dma_semaphore, #tpu.memory_space<semaphore_mem>> -> memref<1x!tpu.dma_semaphore, #tpu.memory_space<semaphore_mem>>
    %dma_wait3A_267 = tpu.memref_squeeze %dma_wait3A_266 : memref<1x!tpu.dma_semaphore, #tpu.memory_space<semaphore_mem>> -> memref<!tpu.dma_semaphore, #tpu.memory_space<semaphore_mem>>
    tpu.wait_indirect_dma semaphore(%dma_wait3A_267 : memref<!tpu.dma_semaphore, #tpu.memory_space<semaphore_mem>>) src(%dma_wait3A_265 : memref<100000x128xf32, #tpu.memory_space<hbm>>) dst(%dma_wait3A_260 : memref<64x128xf32, #tpu.memory_space<vmem>>)
    %add3A_268 = arith.constant 192 : i32
    %add3A_269 = arith.addi %mul3A_4, %add3A_268 : i32
    %dma_start3A_270 = arith.constant 3 : i32
    %dma_start3A_271 = arith.constant 192 : i32
    %dma_start3A_272 = arith.constant 0 : i32
    %dma_start3A_273 = tpu.memref_slice %arg7[%dma_start3A_271, %dma_start3A_272] : memref<256x128xf32, #tpu.memory_space<vmem>> -> memref<64x128xf32, #tpu.memory_space<vmem>>
    %dma_start3A_274 = arith.constant 0 : i32
    %dma_start3A_275 = tpu.memref_slice %arg5[%div3A_1, %add3A_269, %dma_start3A_274] : memref<4x2048x128xf32, #tpu.memory_space<hbm>> -> memref<1x64x128xf32, #tpu.memory_space<hbm>>
    %dma_start3A_276 = tpu.memref_squeeze %dma_start3A_275 : memref<1x64x128xf32, #tpu.memory_space<hbm>> -> memref<64x128xf32, #tpu.memory_space<hbm>>
    %dma_start3A_277 = tpu.memref_slice %arg11[%dma_start3A_270] : memref<4x!tpu.dma_semaphore, #tpu.memory_space<semaphore_mem>> -> memref<1x!tpu.dma_semaphore, #tpu.memory_space<semaphore_mem>>
    %dma_start3A_278 = tpu.memref_squeeze %dma_start3A_277 : memref<1x!tpu.dma_semaphore, #tpu.memory_space<semaphore_mem>> -> memref<!tpu.dma_semaphore, #tpu.memory_space<semaphore_mem>>
    %dma_start3A_279 = arith.constant 0 : i32
    %dma_start3A_280 = tpu.memref_slice %arg5[%div3A_1, %add3A_269, %dma_start3A_279] : memref<4x2048x128xf32, #tpu.memory_space<hbm>> -> memref<1x64x128xf32, #tpu.memory_space<hbm>>
    %dma_start3A_281 = tpu.memref_squeeze %dma_start3A_280 : memref<1x64x128xf32, #tpu.memory_space<hbm>> -> memref<64x128xf32, #tpu.memory_space<hbm>>
    %dma_start3A_282 = arith.constant 192 : i32
    %dma_start3A_283 = arith.constant 0 : i32
    %dma_start3A_284 = tpu.memref_slice %arg7[%dma_start3A_282, %dma_start3A_283] : memref<256x128xf32, #tpu.memory_space<vmem>> -> memref<64x128xf32, #tpu.memory_space<vmem>>
    tpu.enqueue_dma source(%dma_start3A_284 : memref<64x128xf32, #tpu.memory_space<vmem>>) target(%dma_start3A_281 : memref<64x128xf32, #tpu.memory_space<hbm>>) target_semaphore(%dma_start3A_278 : memref<!tpu.dma_semaphore, #tpu.memory_space<semaphore_mem>>)
    %dma_wait3A_285 = arith.constant 0 : i32
    %dma_wait3A_286 = arith.constant 0 : i32
    %dma_wait3A_287 = arith.constant 0 : i32
    %dma_wait3A_288 = tpu.memref_slice %arg7[%dma_wait3A_286, %dma_wait3A_287] : memref<256x128xf32, #tpu.memory_space<vmem>> -> memref<64x128xf32, #tpu.memory_space<vmem>>
    %dma_wait3A_289 = arith.constant 0 : i32
    %dma_wait3A_290 = tpu.memref_slice %arg5[%div3A_1, %add3A_185, %dma_wait3A_289] : memref<4x2048x128xf32, #tpu.memory_space<hbm>> -> memref<1x64x128xf32, #tpu.memory_space<hbm>>
    %dma_wait3A_291 = tpu.memref_squeeze %dma_wait3A_290 : memref<1x64x128xf32, #tpu.memory_space<hbm>> -> memref<64x128xf32, #tpu.memory_space<hbm>>
    %dma_wait3A_292 = tpu.memref_slice %arg11[%dma_wait3A_285] : memref<4x!tpu.dma_semaphore, #tpu.memory_space<semaphore_mem>> -> memref<1x!tpu.dma_semaphore, #tpu.memory_space<semaphore_mem>>
    %dma_wait3A_293 = tpu.memref_squeeze %dma_wait3A_292 : memref<1x!tpu.dma_semaphore, #tpu.memory_space<semaphore_mem>> -> memref<!tpu.dma_semaphore, #tpu.memory_space<semaphore_mem>>
    %dma_wait3A_294 = arith.constant 0 : i32
    %dma_wait3A_295 = tpu.memref_slice %arg5[%div3A_1, %add3A_185, %dma_wait3A_294] : memref<4x2048x128xf32, #tpu.memory_space<hbm>> -> memref<1x64x128xf32, #tpu.memory_space<hbm>>
    %dma_wait3A_296 = tpu.memref_squeeze %dma_wait3A_295 : memref<1x64x128xf32, #tpu.memory_space<hbm>> -> memref<64x128xf32, #tpu.memory_space<hbm>>
    %dma_wait3A_297 = arith.constant 0 : i32
    %dma_wait3A_298 = arith.constant 0 : i32
    %dma_wait3A_299 = tpu.memref_slice %arg7[%dma_wait3A_297, %dma_wait3A_298] : memref<256x128xf32, #tpu.memory_space<vmem>> -> memref<64x128xf32, #tpu.memory_space<vmem>>
    tpu.wait_dma2 semaphore(%dma_wait3A_293 : memref<!tpu.dma_semaphore, #tpu.memory_space<semaphore_mem>>) src(%dma_wait3A_299 : memref<64x128xf32, #tpu.memory_space<vmem>>) dst(%dma_wait3A_296 : memref<64x128xf32, #tpu.memory_space<hbm>>)
    %dma_wait3A_300 = arith.constant 1 : i32
    %dma_wait3A_301 = arith.constant 64 : i32
    %dma_wait3A_302 = arith.constant 0 : i32
    %dma_wait3A_303 = tpu.memref_slice %arg7[%dma_wait3A_301, %dma_wait3A_302] : memref<256x128xf32, #tpu.memory_space<vmem>> -> memref<64x128xf32, #tpu.memory_space<vmem>>
    %dma_wait3A_304 = arith.constant 0 : i32
    %dma_wait3A_305 = tpu.memref_slice %arg5[%div3A_1, %add3A_213, %dma_wait3A_304] : memref<4x2048x128xf32, #tpu.memory_space<hbm>> -> memref<1x64x128xf32, #tpu.memory_space<hbm>>
    %dma_wait3A_306 = tpu.memref_squeeze %dma_wait3A_305 : memref<1x64x128xf32, #tpu.memory_space<hbm>> -> memref<64x128xf32, #tpu.memory_space<hbm>>
    %dma_wait3A_307 = tpu.memref_slice %arg11[%dma_wait3A_300] : memref<4x!tpu.dma_semaphore, #tpu.memory_space<semaphore_mem>> -> memref<1x!tpu.dma_semaphore, #tpu.memory_space<semaphore_mem>>
    %dma_wait3A_308 = tpu.memref_squeeze %dma_wait3A_307 : memref<1x!tpu.dma_semaphore, #tpu.memory_space<semaphore_mem>> -> memref<!tpu.dma_semaphore, #tpu.memory_space<semaphore_mem>>
    %dma_wait3A_309 = arith.constant 0 : i32
    %dma_wait3A_310 = tpu.memref_slice %arg5[%div3A_1, %add3A_213, %dma_wait3A_309] : memref<4x2048x128xf32, #tpu.memory_space<hbm>> -> memref<1x64x128xf32, #tpu.memory_space<hbm>>
    %dma_wait3A_311 = tpu.memref_squeeze %dma_wait3A_310 : memref<1x64x128xf32, #tpu.memory_space<hbm>> -> memref<64x128xf32, #tpu.memory_space<hbm>>
    %dma_wait3A_312 = arith.constant 64 : i32
    %dma_wait3A_313 = arith.constant 0 : i32
    %dma_wait3A_314 = tpu.memref_slice %arg7[%dma_wait3A_312, %dma_wait3A_313] : memref<256x128xf32, #tpu.memory_space<vmem>> -> memref<64x128xf32, #tpu.memory_space<vmem>>
    tpu.wait_dma2 semaphore(%dma_wait3A_308 : memref<!tpu.dma_semaphore, #tpu.memory_space<semaphore_mem>>) src(%dma_wait3A_314 : memref<64x128xf32, #tpu.memory_space<vmem>>) dst(%dma_wait3A_311 : memref<64x128xf32, #tpu.memory_space<hbm>>)
    %dma_wait3A_315 = arith.constant 2 : i32
    %dma_wait3A_316 = arith.constant 128 : i32
    %dma_wait3A_317 = arith.constant 0 : i32
    %dma_wait3A_318 = tpu.memref_slice %arg7[%dma_wait3A_316, %dma_wait3A_317] : memref<256x128xf32, #tpu.memory_space<vmem>> -> memref<64x128xf32, #tpu.memory_space<vmem>>
    %dma_wait3A_319 = arith.constant 0 : i32
    %dma_wait3A_320 = tpu.memref_slice %arg5[%div3A_1, %add3A_241, %dma_wait3A_319] : memref<4x2048x128xf32, #tpu.memory_space<hbm>> -> memref<1x64x128xf32, #tpu.memory_space<hbm>>
    %dma_wait3A_321 = tpu.memref_squeeze %dma_wait3A_320 : memref<1x64x128xf32, #tpu.memory_space<hbm>> -> memref<64x128xf32, #tpu.memory_space<hbm>>
    %dma_wait3A_322 = tpu.memref_slice %arg11[%dma_wait3A_315] : memref<4x!tpu.dma_semaphore, #tpu.memory_space<semaphore_mem>> -> memref<1x!tpu.dma_semaphore, #tpu.memory_space<semaphore_mem>>
    %dma_wait3A_323 = tpu.memref_squeeze %dma_wait3A_322 : memref<1x!tpu.dma_semaphore, #tpu.memory_space<semaphore_mem>> -> memref<!tpu.dma_semaphore, #tpu.memory_space<semaphore_mem>>
    %dma_wait3A_324 = arith.constant 0 : i32
    %dma_wait3A_325 = tpu.memref_slice %arg5[%div3A_1, %add3A_241, %dma_wait3A_324] : memref<4x2048x128xf32, #tpu.memory_space<hbm>> -> memref<1x64x128xf32, #tpu.memory_space<hbm>>
    %dma_wait3A_326 = tpu.memref_squeeze %dma_wait3A_325 : memref<1x64x128xf32, #tpu.memory_space<hbm>> -> memref<64x128xf32, #tpu.memory_space<hbm>>
    %dma_wait3A_327 = arith.constant 128 : i32
    %dma_wait3A_328 = arith.constant 0 : i32
    %dma_wait3A_329 = tpu.memref_slice %arg7[%dma_wait3A_327, %dma_wait3A_328] : memref<256x128xf32, #tpu.memory_space<vmem>> -> memref<64x128xf32, #tpu.memory_space<vmem>>
    tpu.wait_dma2 semaphore(%dma_wait3A_323 : memref<!tpu.dma_semaphore, #tpu.memory_space<semaphore_mem>>) src(%dma_wait3A_329 : memref<64x128xf32, #tpu.memory_space<vmem>>) dst(%dma_wait3A_326 : memref<64x128xf32, #tpu.memory_space<hbm>>)
    %dma_wait3A_330 = arith.constant 3 : i32
    %dma_wait3A_331 = arith.constant 192 : i32
    %dma_wait3A_332 = arith.constant 0 : i32
    %dma_wait3A_333 = tpu.memref_slice %arg7[%dma_wait3A_331, %dma_wait3A_332] : memref<256x128xf32, #tpu.memory_space<vmem>> -> memref<64x128xf32, #tpu.memory_space<vmem>>
    %dma_wait3A_334 = arith.constant 0 : i32
    %dma_wait3A_335 = tpu.memref_slice %arg5[%div3A_1, %add3A_269, %dma_wait3A_334] : memref<4x2048x128xf32, #tpu.memory_space<hbm>> -> memref<1x64x128xf32, #tpu.memory_space<hbm>>
    %dma_wait3A_336 = tpu.memref_squeeze %dma_wait3A_335 : memref<1x64x128xf32, #tpu.memory_space<hbm>> -> memref<64x128xf32, #tpu.memory_space<hbm>>
    %dma_wait3A_337 = tpu.memref_slice %arg11[%dma_wait3A_330] : memref<4x!tpu.dma_semaphore, #tpu.memory_space<semaphore_mem>> -> memref<1x!tpu.dma_semaphore, #tpu.memory_space<semaphore_mem>>
    %dma_wait3A_338 = tpu.memref_squeeze %dma_wait3A_337 : memref<1x!tpu.dma_semaphore, #tpu.memory_space<semaphore_mem>> -> memref<!tpu.dma_semaphore, #tpu.memory_space<semaphore_mem>>
    %dma_wait3A_339 = arith.constant 0 : i32
    %dma_wait3A_340 = tpu.memref_slice %arg5[%div3A_1, %add3A_269, %dma_wait3A_339] : memref<4x2048x128xf32, #tpu.memory_space<hbm>> -> memref<1x64x128xf32, #tpu.memory_space<hbm>>
    %dma_wait3A_341 = tpu.memref_squeeze %dma_wait3A_340 : memref<1x64x128xf32, #tpu.memory_space<hbm>> -> memref<64x128xf32, #tpu.memory_space<hbm>>
    %dma_wait3A_342 = arith.constant 192 : i32
    %dma_wait3A_343 = arith.constant 0 : i32
    %dma_wait3A_344 = tpu.memref_slice %arg7[%dma_wait3A_342, %dma_wait3A_343] : memref<256x128xf32, #tpu.memory_space<vmem>> -> memref<64x128xf32, #tpu.memory_space<vmem>>
    tpu.wait_dma2 semaphore(%dma_wait3A_338 : memref<!tpu.dma_semaphore, #tpu.memory_space<semaphore_mem>>) src(%dma_wait3A_344 : memref<64x128xf32, #tpu.memory_space<vmem>>) dst(%dma_wait3A_341 : memref<64x128xf32, #tpu.memory_space<hbm>>)
    return
  }
}

</mosaic_0001>

<sc_bundles>
// kernel: kernel.3.cloned.1.call-start
scs
__scs_entry_jumppad:
0x0: {  	(pc) =	sbr.rel $0x88, $3  }
0x1: {  	(tag) =	ssettag $0x0;
	lr =	simm.s32 $0x1  }
0x2: {  	[smem:$0x3F9E] =	sst lr;
	_ =	strace $0xD0000000  }
0x3: {  	_ = 	snop  }
0x4: {  	_ = 	snop  }
0x5: {  	_ = 	snop  }
0x6: {  	_ = 	snop  }
0x7: {  	_ = 	snop  }
__scs_overlays_trampoline_lowered:
0x8: {  	[smem:$0x3FAD] =	sst s0  }
0x9: {  	[smem:$0x3FAE] =	sst s1  }
0xa: {  	[smem:$0x3FAF] =	sst s2  }
0xb: {  	[smem:$0x3FB0] =	sst s3  }
0xc: {  	[smem:$0x3FB1] =	sst s4  }
0xd: {  	[smem:$0x3FB2] =	sst s5  }
0xe: {  	[smem:$0x3FB3] =	sst s6  }
0xf: {  	[smem:$0x3FB4] =	sst s7  }
0x10: {  	[smem:$0x3FB5] =	sst s8  }
0x11: {  	[smem:$0x3FB6] =	sst s9;
	s0 =	simm.s32 @!p0 $0x0  }
0x12: {  	s1 =	sld [smem:$0x3F9C];
	s0 =	simm.s32 @p0 $0x1  }
0x13: {  	[smem:$0x3FB7] =	sst s0;
	s0 =	simm.s32 @!p1 $0x0  }
0x14: {  	s2 =	sld [smem:$0x3F9B];
	s0 =	simm.s32 @p1 $0x1  }
0x15: {  	[smem:$0x3FB8] =	sst s0;
	s0 =	simm.s32 @!p2 $0x0  }
0x16: {  	s3 =	sld [smem:$0x3FDB];
	s0 =	simm.s32 @p2 $0x1  }
0x17: {  	s4 =	simm.s32 $0x1BF5;
	[smem:$0x3FBA] =	sst s0  }
0x18: {  	s0 =	sld [smem:$0x3F9D];
	_ =	swait.ge [sflag:s4], $0x0  }
0x19: {  	s7 =	sld [smem:$0x3F9E]  }
0x1a: {  	s8 =	sadd.s32 $0xFFFFE003, lr  }
0x1b: {  	s9 =	sadd.s32 $0xFFFFFEF7, lr;
	s5 =	simm.s32 $0xFFFFFFFF;
	p2 =	slt.u32 s8, $0xFFFFF086  }
0x1c: {  	p1 =	slt.u32 s9, $0xF7A;
	s5 =	simm.s32 @!p2 $0x0  }
0x1d: {  	s5 =	simm.s32 @p1 $0x1;
	p0 =	seq.s32 s7, s2  }
0x1e: {  	s7 =	smul.u32 @!p0 $0xF7A, s2;
	p2 =	seq.s32 @!p0 s5, $0x0  }
0x1f: {  	s9 =	smul.u32 $0xF7A, s1;
	s8 =	simm.s32 @!p0 $0x1BF5;
	p2 =	por !p2, p0  }
0x20: {  	[sflag:s8] =	ssyncset.s32 @!p0 $0xFFFFF086;
	s6 =	sadd.s32 @!p0 s3, s7;
	s7 =	simm.s32 @!p0 $0x108  }
0x21: {  	s3 =	sadd.s32 s3, s9;
	s6 =	sadd.s32 @!p0 $0x88, s6;
	s7 =	simm.s32 @p2 $0x1082  }
0x22: {  	[simem:s7], [sflag:s8] =	dma.local @!p0 [hbm:s6], $0xF7A  }
0x23: {  	s9 =	sor.u32 $0xD0000000, s2;
	s6 =	simm.s32 $0x108;
	_ =	swait.ge @!p0 [sflag:s8], $0x0  }
0x24: {  	s3 =	sadd.s32 $0x88, s3;
	s6 =	simm.s32 @!p1 $0x1082;
	[sflag:s4] =	ssyncset.s32 $0xFFFFF086  }
0x25: {  	[simem:s6], [sflag:s4] =	dma.local [hbm:s3], $0xF7A  }
0x26: {  	[smem:$0x3F9E] =	sst s1;
	(tag) =	ssettag s2;
	_ =	strace s9  }
0x27: {  	s1 =	sld [smem:$0x3FAE]  }
0x28: {  	s2 =	sld [smem:$0x3FAF]  }
0x29: {  	s4 =	sld [smem:$0x3FB1]  }
0x2a: {  	p0 =	seq.s32 s5, $0x0;
	s5 =	sld [smem:$0x3FB2]  }
0x2b: {  	s6 =	sld [smem:$0x3FB3]  }
0x2c: {  	s7 =	sld [smem:$0x3FB4]  }
0x2d: {  	s3 =	simm.s32 $0x108;
	s8 =	sld [smem:$0x3FB5]  }
0x2e: {  	s3 =	simm.s32 @!p0 $0x1082;
	s9 =	sld [smem:$0x3FB6]  }
0x2f: {  	lr =	sadd.s32 s0, s3;
	s0 =	sld [smem:$0x3FAD]  }
0x30: {  	s3 =	sld [smem:$0x3FB0]  }
0x31: {  	[smem:$0x3FB9] =	sst s10  }
0x32: {  	s10 =	sld [smem:$0x3FB7];
	_ =	sdelay $0x3  }
0x33: {  	p0 =	seq.s32 s10, $0x1;
	s10 =	sld [smem:$0x3FB9];
	_ =	sdelay $0x3  }
0x34: {  	[smem:$0x3FB9] =	sst s10  }
0x35: {  	s10 =	sld [smem:$0x3FB8];
	_ =	sdelay $0x3  }
0x36: {  	p1 =	seq.s32 s10, $0x1;
	s10 =	sld [smem:$0x3FB9];
	_ =	sdelay $0x3  }
0x37: {  	[smem:$0x3FB9] =	sst s10  }
0x38: {  	s10 =	sld [smem:$0x3FBA]  }
0x39: {  	_ = 	snop;
	(pc) =	sbr.ind lr, $3  }
0x3a: {  	_ = 	snop  }
0x3b: {  	_ = 	snop  }
0x3c: {  	p2 =	seq.s32 s10, $0x1;
	s10 =	sld [smem:$0x3FB9]  }
0x3d: {  	_ =	shalt  }
0x3e: {  	_ =	shalt  }
0x3f: {  	_ =	shalt  }
0x40: {  	_ =	shalt  }
0x41: {  	_ =	shalt  }
0x42: {  	_ =	shalt  }
0x43: {  	_ =	shalt  }
0x44: {  	_ =	shalt  }
0x45: {  	_ =	shalt  }
0x46: {  	_ =	shalt  }
0x47: {  	_ =	shalt  }
0x48: {  	_ =	shalt  }
0x49: {  	_ =	shalt  }
0x4a: {  	_ =	shalt  }
0x4b: {  	_ =	shalt  }
0x4c: {  	_ =	shalt  }
0x4d: {  	_ =	shalt  }
0x4e: {  	_ =	shalt  }
0x4f: {  	_ =	shalt  }
0x50: {  	_ =	shalt  }
0x51: {  	_ =	shalt  }
0x52: {  	_ =	shalt  }
0x53: {  	_ =	shalt  }
0x54: {  	_ =	shalt  }
0x55: {  	_ =	shalt  }
0x56: {  	_ =	shalt  }
0x57: {  	_ =	shalt  }
0x58: {  	_ =	shalt  }
0x59: {  	_ =	shalt  }
0x5a: {  	_ =	shalt  }
0x5b: {  	_ =	shalt  }
0x5c: {  	_ =	shalt  }
0x5d: {  	_ =	shalt  }
0x5e: {  	_ =	shalt  }
0x5f: {  	_ =	shalt  }
0x60: {  	_ =	shalt  }
0x61: {  	_ =	shalt  }
0x62: {  	_ =	shalt  }
0x63: {  	_ =	shalt  }
0x64: {  	_ =	shalt  }
0x65: {  	_ =	shalt  }
0x66: {  	_ =	shalt  }
0x67: {  	_ =	shalt  }
0x68: {  	_ =	shalt  }
0x69: {  	_ =	shalt  }
0x6a: {  	_ =	shalt  }
0x6b: {  	_ =	shalt  }
0x6c: {  	_ =	shalt  }
0x6d: {  	_ =	shalt  }
0x6e: {  	_ =	shalt  }
0x6f: {  	_ =	shalt  }
0x70: {  	_ =	shalt  }
0x71: {  	_ =	shalt  }
0x72: {  	_ =	shalt  }
0x73: {  	_ =	shalt  }
0x74: {  	_ =	shalt  }
0x75: {  	_ =	shalt  }
0x76: {  	_ =	shalt  }
0x77: {  	_ =	shalt  }
0x78: {  	_ =	shalt  }
0x79: {  	_ =	shalt  }
0x7a: {  	_ =	shalt  }
0x7b: {  	_ =	shalt  }
0x7c: {  	_ =	shalt  }
0x7d: {  	_ =	shalt  }
0x7e: {  	_ =	shalt  }
0x7f: {  	_ =	shalt  }
0x80: {  	_ =	shalt  }
0x81: {  	_ =	shalt  }
0x82: {  	_ =	shalt  }
0x83: {  	_ =	shalt  }
0x84: {  	_ =	shalt  }
0x85: {  	_ =	shalt  }
0x86: {  	_ =	shalt  }
0x87: {  	_ =	shalt  }
.Lfunc_end0:
.L_simem_size_0:
called_computation_lowered:
.L_overlay_start_0:
0x88: {  	s2 =	sld [smem:$0x3FD9]  }
0x89: {  	s3 =	sld [smem:$0x3FFE];
	_ =	sdelay $0x1  }
0x8a: {  	s1 =	srdreg.scid  }
0x8b: {  	s0 =	sand.u32 $0x1, s1  }
0x8c: {  	s18 =	sshll.u32 s0, $0xA;
	s2 =	sadd.s32 s3, s2  }
0x8d: {  	s2 =	sadd.s32 s2, s18  }
0x8e: {  	[smem:$0x3FC5] =	sst s2  }
0x8f: {  	_ = 	snop  }
0x90: {  	s2 =	sld [smem:$0x3FC9]  }
0x91: {  	s19 =	sld [smem:$0x3FC8]  }
0x92: {  	s4 =	sld [smem:$0x3FC7]  }
0x93: {  	s5 =	sld [smem:$0x3FD0];
	(tm) =	ssettm $0x1  }
0x94: {  	s6 =	sld [smem:$0x3FFB];
	_ =	sdelay $0x3  }
0x95: {  	_ =	strace s6  }
0x96: {  	s6 =	sld [smem:$0x3FFC];
	_ =	sdelay $0x3  }
0x97: {  	_ =	strace s6  }
0x98: {  	s6 =	sld [smem:$0x3FFD];
	_ =	sdelay $0x3  }
0x99: {  	_ =	strace s6  }
0x9a: {  	_ =	strace $0x8FFFFFFF  }
0x9b: {  	s20 =	sld [smem:$0x3FDB];
	_ =	sdelay $0x1  }
0x9c: {  	s7 =	simm.s32 $_scs_section_size  }
0x9d: {  	s8 =	simm.s32 $_size__tile_overlayer_lowered;
	s9 =	simm.s32 $_tile_overlayer_lowered  }
0x9e: {  	s23 =	simm.s32 $0x1BFF;
	s22 =	sshll.u32 s9, $0x1;
	s6 =	sadd.s32 s7, s20  }
0x9f: {  	s10 =	simm.s32 $0x0;
	s21 =	sshll.u32 s8, $0x1;
	s8 =	sadd.s32 s22, s6  }
0xa0: {  	[timem:s10], [sflag:s23] =	dma.local [hbm:s8], s21  }
0xa1: {  	_ =	swait.ge [sflag:s23], s21  }
0xa2: {  	s7 =	ssub.s32 $0x0, s21;
	[sflag:s23] =	ssyncset.done $0x0  }
0xa3: {  	[sflag:s23] =	ssyncadd.s32 s7;
	_ =	sdelay $0x1  }
0xa4: {  	s24 =	simm.s32 $0x1B8B  }
0xa5: {  	_ =	swait.ge [sflag:s24], $0x1  }
0xa6: {  	[sflag:s24] =	ssyncset.done $0x0  }
0xa7: {  	s25 =	simm.s32 $0x1B8E;
	[sflag:s24] =	ssyncadd.s32 $0xFFFFFFFF  }
0xa8: {  	s26 =	simm.s32 $execute0_lowered;
	[smem:$0x3FD2] =	sst s25  }
0xa9: {  	s7 =	sshll.u32 s26, $0x1;
	_ =	strace $0x80000046;
	[dreg:$0x1] =	wrdreg $0xFFFFFFFF  }
0xaa: {  	s28 =	simm.s32 $_size_execute0_lowered;
	s6 =	sadd.s32 s6, s7;
	[dreg:$0x0] =	wrdreg $0x0  }
0xab: {  	s7 =	sshll.u32 s28, $0x1;
	[dreg:$0x2] =	wrdreg s6  }
0xac: {  	[dreg:$0x3] =	wrdreg s7  }
0xad: {  	[dreg:$0x4] =	wrdreg $0xC0  }
0xae: {  	_ =	task [dreg:s10], $0x5FFFF  }
0xaf: {  	[dreg:$0x1] =	wrdreg $0xFFFFFFFF  }
0xb0: {  	[dreg:$0x0] =	wrdreg $0x60  }
0xb1: {  	[dreg:$0x2] =	wrdreg s2  }
0xb2: {  	[dreg:$0x3] =	wrdreg s19  }
0xb3: {  	[dreg:$0x4] =	wrdreg s4  }
0xb4: {  	[dreg:$0x5] =	wrdreg s5  }
0xb5: {  	[dreg:$0x6] =	wrdreg $0x9  }
0xb6: {  	_ =	task.clear_ibuf [dreg:s10], $0x7FFFF;
	_ =	strace $0x90000046  }
0xb7: {  	s29 =	simm.s32 $0x9;
	_ =	strace $0x80000048  }
0xb8: {  	_ =	swait.ge [sflag:s29], $0x1  }
0xb9: {  	[sflag:s29] =	ssyncadd.s32 $0xFFFFFFFF  }
0xba: {  	_ =	strace $0x90000048  }
0xbb: {  	_ =	sfence  }
0xbc: {  	s30 =	sld [smem:$0x0];
	_ =	sdelay $0x2  }
0xbd: {  	s31 =	sshll.u32 s1, $0xD;
	s1 =	sshrl.u32 s1, $0x2  }
0xbe: {  	s3 =	sand.u32 $0x4000, s31;
	s1 =	sadd.s32 s1, s30  }
0xbf: {  	s0 =	sor.u32 s3, s0;
	s1 =	sshll.u32 s1, $0x11  }
0xc0: {  	s0 =	sor.u32 s1, s0  }
0xc1: {  	s0 =	sadd.s32 $0x8F2B, s0  }
0xc2: {  	[sflag:s0] =	ssyncadd.remote.s32 $0x1  }
0xc3: {  	_ =	sfence.sel $0xFFFF  }
0xc4: {  	[dreg:$0x0] =	wrdreg $0xFFFFFFFF;
	(pc) =	sbr.abs _section_cstart, $3  }
0xc5: {  	[dreg:$0x1] =	wrdreg $0xFFFFFFFF  }
0xc6: {  	_ =	task.clear_ibuf [dreg:s10], $0x2FFFF;
	_ =	strace $0x9FFFFFFF  }
0xc7: {  	(tm) =	ssettm $0x7FFFFFFF  }
tec
execute0_lowered:
.L_overlay_start_1:
0x0: {  	(tag) =	ssettag $0x1  }
0x1: {  	s4 =	rddreg [dreg:$0x0]  }
0x2: {  	s2 =	rddreg [dreg:$0x1]  }
0x3: {  	s10 =	rddreg [dreg:$0x2]  }
0x4: {  	s26 =	rddreg [dreg:$0x3];
	s1 =	stileid.u32  }
0x5: {  	s3 =	simm.s32 $0x0;
	s0 =	srdreg.scid;
	s5 =	sshll.u32 s1, $0x1  }
0x6: {  	s0 =	sand.u32 $0x1, s0;
	s19 =	sshrl.u32 s1, $0x2;
	s5 =	sand.u32 $0x6, s5  }
0x7: {  	[smem:$0x7FF] =	sst s3;
	s6 =	sshll.u32 s19, $0x4;
	s5 =	sor.u32 s0, s5  }
0x8: {  	_ =	strace $0x80000047;
	s4 =	sadd.s32 s4, s6;
	s7 =	sshll.u32 s5, $0x7  }
0x9: {  	s20 =	sshll.u32 s5, $0xF;
	s5 =	sshll.u32 s5, $0xC;
	s4 =	sadd.s32 s7, s4  }
0xa: {  	s16 =	sadd.s32 s10, s5;
	s22 =	sor.u32 $0x2000, s20;
	[dreg:$0x5] =	wrdreg s4  }
0xb: {  	[dreg:$0x6] =	wrdreg s16;
	s17 =	sshrl.u32 s22, $0x3  }
0xc: {  	s21 =	simm.s32 $0x200;
	s4 =	sadd.s32 s10, s17;
	s18 =	rddreg [dreg:$0x5]  }
0xd: {  	s6 =	simm.s32 $0x100;
	[dreg:$0x7] =	wrdreg s4;
	s4 =	simm.s32 $0x80  }
0xe: {  	[tilespmem:s3], [sflag:$0x1] =	stream.strided.gather [hbm4b:s18+s4], $0x100, s21, s4, $0x38;
	[tilespmem:$0x8100] =	vst v63  }
0xf: {  	s24 =	sor.u32 $0x4000, s20;
	s28 =	sor.u32 $0x6000, s20;
	s23 =	rddreg [dreg:$0x6]  }
0x10: {  	[tilespmem:s6], [sflag:$0x2] =	stream.linear.gather [hbm4b:s23+s3], $0x2000, $0x38;
	[tilespmem:$0x8100] =	vst v63  }
0x11: {  	s7 =	simm.s32 $0x2100;
	s9 =	sshrl.u32 s24, $0x3;
	s8 =	rddreg [dreg:$0x7]  }
0x12: {  	[tilespmem:s7], [sflag:$0x3] =	stream.linear.gather [hbm4b:s8+s3], $0x2000, $0x38;
	[tilespmem:$0x8100] =	vst v63  }
0x13: {  	s11 =	sshrl.u32 s28, $0x3;
	s8 =	sadd.s32 s10, s9;
	s9 =	simm.s32 $0x4100  }
0x14: {  	[tilespmem:s9], [sflag:$0x4] =	stream.linear.gather [hbm4b:s8+s3], $0x2000, $0x38;
	[tilespmem:$0x8100] =	vst v63  }
0x15: {  	s12 =	simm.s32 $0x1;
	s10 =	sadd.s32 s10, s11;
	s11 =	simm.s32 $0x6100  }
0x16: {  	[tilespmem:s11], [sflag:$0x5] =	stream.linear.gather [hbm4b:s10+s3], $0x2000, $0x38;
	[tilespmem:$0x8100] =	vst v63  }
0x17: {  	_ =	swait.ge [sflag:s12], $0x100  }
0x18: {  	[sflag:s12] =	ssyncset.done $0x0  }
0x19: {  	s13 =	simm.s32 $0x2;
	[sflag:s12] =	ssyncadd.s32 $0xFFFFFF00  }
0x1a: {  	_ =	swait.ge [sflag:s13], $0x2000  }
0x1b: {  	[sflag:s13] =	ssyncset.done $0x0  }
0x1c: {  	s14 =	simm.s32 $0x40;
	s15 =	simm.s32 $0x3;
	[sflag:s13] =	ssyncadd.s32 $0xFFFFE000  }
0x1d: {  	[tilespmem:s6], [sflag:$0x6] =	stream.indirect.gather.add.f32 [hbm:s2], $0x80, s3, s14, $0xb8;
	[tilespmem:$0x8100] =	vst v63  }
0x1e: {  	_ =	swait.ge [sflag:s15], $0x2000  }
0x1f: {  	[sflag:s15] =	ssyncset.done $0x0  }
0x20: {  	s16 =	simm.s32 $0x4;
	[sflag:s15] =	ssyncadd.s32 $0xFFFFE000  }
0x21: {  	[tilespmem:s7], [sflag:$0x7] =	stream.indirect.gather.add.f32 [hbm:s2], $0x80, s14, s14, $0xb8;
	[tilespmem:$0x8100] =	vst v63  }
0x22: {  	_ =	swait.ge [sflag:s16], $0x2000  }
0x23: {  	[sflag:s16] =	ssyncset.done $0x0  }
0x24: {  	s17 =	simm.s32 $0x5;
	[sflag:s16] =	ssyncadd.s32 $0xFFFFE000  }
0x25: {  	[tilespmem:s9], [sflag:$0x8] =	stream.indirect.gather.add.f32 [hbm:s2], $0x80, s4, s14, $0xb8;
	[tilespmem:$0x8100] =	vst v63  }
0x26: {  	_ =	swait.ge [sflag:s17], $0x2000  }
0x27: {  	s25 =	simm.s32 $0xC0;
	[sflag:s17] =	ssyncset.done $0x0  }
0x28: {  	s29 =	sshll.u32 s19, $0x12;
	s19 =	simm.s32 $0x6;
	[sflag:s17] =	ssyncadd.s32 $0xFFFFE000  }
0x29: {  	[tilespmem:s11], [sflag:$0x9] =	stream.indirect.gather.add.f32 [hbm:s2], $0x80, s25, s14, $0xb8;
	[tilespmem:$0x8100] =	vst v63  }
0x2a: {  	s20 =	sor.u32 s29, s20;
	_ =	swait.ge [sflag:s19], $0x2000  }
0x2b: {  	s20 =	sshrl.u32 s20, $0x3;
	[sflag:s19] =	ssyncset.done $0x0  }
0x2c: {  	s20 =	sadd.s32 s26, s20;
	s21 =	simm.s32 $0x7;
	[sflag:s19] =	ssyncadd.s32 $0xFFFFE000  }
0x2d: {  	[hbm4b:s20+s3] =	stream.linear.scatter [tilespmem:s6], [sflag:$0xA], $0x2000, $0x38;
	[tilespmem:$0x8100] =	vst v63  }
0x2e: {  	s22 =	sor.u32 s29, s22;
	_ =	swait.ge [sflag:s21], $0x2000  }
0x2f: {  	s22 =	sshrl.u32 s22, $0x3;
	[sflag:s21] =	ssyncset.done $0x0  }
0x30: {  	s22 =	sadd.s32 s26, s22;
	s23 =	simm.s32 $0x8;
	[sflag:s21] =	ssyncadd.s32 $0xFFFFE000  }
0x31: {  	[hbm4b:s22+s3] =	stream.linear.scatter [tilespmem:s7], [sflag:$0xB], $0x2000, $0x38;
	[tilespmem:$0x8100] =	vst v63  }
0x32: {  	s24 =	sor.u32 s29, s24;
	_ =	swait.ge [sflag:s23], $0x2000  }
0x33: {  	s24 =	sshrl.u32 s24, $0x3;
	[sflag:s23] =	ssyncset.done $0x0  }
0x34: {  	s24 =	sadd.s32 s26, s24;
	s25 =	simm.s32 $0x9;
	[sflag:s23] =	ssyncadd.s32 $0xFFFFE000  }
0x35: {  	[hbm4b:s24+s3] =	stream.linear.scatter [tilespmem:s9], [sflag:$0xC], $0x2000, $0x38;
	[tilespmem:$0x8100] =	vst v63  }
0x36: {  	s28 =	sor.u32 s29, s28;
	_ =	swait.ge [sflag:s25], $0x2000  }
0x37: {  	s28 =	sshrl.u32 s28, $0x3;
	[sflag:s25] =	ssyncset.done $0x0  }
0x38: {  	s26 =	sadd.s32 s26, s28;
	s28 =	simm.s32 $0xA;
	[sflag:s25] =	ssyncadd.s32 $0xFFFFE000  }
0x39: {  	[hbm4b:s26+s3] =	stream.linear.scatter [tilespmem:s11], [sflag:$0xD], $0x2000, $0x38;
	[tilespmem:$0x8100] =	vst v63  }
0x3a: {  	s0 =	ssub.s32 $0x2, s0;
	_ =	swait.ge [sflag:s28], $0x2000  }
0x3b: {  	s31 =	sshrl.u32 s0, $0x1;
	[sflag:s28] =	ssyncset.done $0x0  }
0x3c: {  	s0 =	ssub.s32 s0, s31;
	s29 =	simm.s32 $0xB;
	[sflag:s28] =	ssyncadd.s32 $0xFFFFE000  }
0x3d: {  	s0 =	smax.u32 s0, $0x1;
	_ =	swait.ge [sflag:s29], $0x2000  }
0x3e: {  	p0 =	sne.s32 s0, $0x1;
	[sflag:s29] =	ssyncset.done $0x0  }
.Ltmp0:
0x3f: {  	s30 =	simm.s32 $0xC;
	[sflag:s29] =	ssyncadd.s32 $0xFFFFE000;
	(pc) =	sbr.rel @!p0 .LBB2_3-.Ltmp0, $4  }
0x40: {  	_ =	swait.ge [sflag:s30], $0x2000  }
0x41: {  	[sflag:s30] =	ssyncset.done $0x0  }
0x42: {  	s31 =	simm.s32 $0xD;
	[sflag:s30] =	ssyncadd.s32 $0xFFFFE000  }
0x43: {  	s0 =	sadd.s32 $0xFFFFFFFF, s0;
	_ =	swait.ge [sflag:s31], $0x2000  }
0x44: {  	s18 =	simm.s32 $0x200  }
.LBB2_2:
0x45: {  	[sflag:s31] =	ssyncset.done $0x0  }
0x46: {  	s1 =	rddreg [dreg:$0x5];
	[sflag:s31] =	ssyncadd.s32 $0xFFFFE000  }
0x47: {  	[tilespmem:s3], [sflag:$0x1] =	stream.strided.gather [hbm4b:s1+s4], $0x100, s18, s4, $0x38;
	[tilespmem:$0x8100] =	vst v63  }
0x48: {  	s5 =	rddreg [dreg:$0x6]  }
0x49: {  	[tilespmem:s6], [sflag:$0x2] =	stream.linear.gather [hbm4b:s5+s3], $0x2000, $0x38;
	[tilespmem:$0x8100] =	vst v63  }
0x4a: {  	s1 =	rddreg [dreg:$0x7]  }
0x4b: {  	[tilespmem:s7], [sflag:$0x3] =	stream.linear.gather [hbm4b:s1+s3], $0x2000, $0x38;
	[tilespmem:$0x8100] =	vst v63  }
0x4c: {  	_ = 	snop  }
0x4d: {  	[tilespmem:s9], [sflag:$0x4] =	stream.linear.gather [hbm4b:s8+s3], $0x2000, $0x38;
	[tilespmem:$0x8100] =	vst v63  }
0x4e: {  	_ = 	snop  }
0x4f: {  	[tilespmem:s11], [sflag:$0x5] =	stream.linear.gather [hbm4b:s10+s3], $0x2000, $0x38;
	[tilespmem:$0x8100] =	vst v63  }
0x50: {  	_ =	swait.ge [sflag:s12], $0x100  }
0x51: {  	[sflag:s12] =	ssyncset.done $0x0  }
0x52: {  	[sflag:s12] =	ssyncadd.s32 $0xFFFFFF00  }
0x53: {  	_ =	swait.ge [sflag:s13], $0x2000  }
0x54: {  	[sflag:s13] =	ssyncset.done $0x0  }
0x55: {  	[sflag:s13] =	ssyncadd.s32 $0xFFFFE000  }
0x56: {  	[tilespmem:s6], [sflag:$0x6] =	stream.indirect.gather.add.f32 [hbm:s2], $0x80, s3, s14, $0xb8;
	[tilespmem:$0x8100] =	vst v63  }
0x57: {  	_ =	swait.ge [sflag:s15], $0x2000  }
0x58: {  	[sflag:s15] =	ssyncset.done $0x0  }
0x59: {  	[sflag:s15] =	ssyncadd.s32 $0xFFFFE000  }
0x5a: {  	[tilespmem:s7], [sflag:$0x7] =	stream.indirect.gather.add.f32 [hbm:s2], $0x80, s14, s14, $0xb8;
	[tilespmem:$0x8100] =	vst v63  }
0x5b: {  	_ =	swait.ge [sflag:s16], $0x2000  }
0x5c: {  	[sflag:s16] =	ssyncset.done $0x0  }
0x5d: {  	[sflag:s16] =	ssyncadd.s32 $0xFFFFE000  }
0x5e: {  	[tilespmem:s9], [sflag:$0x8] =	stream.indirect.gather.add.f32 [hbm:s2], $0x80, s4, s14, $0xb8;
	[tilespmem:$0x8100] =	vst v63  }
0x5f: {  	_ =	swait.ge [sflag:s17], $0x2000  }
0x60: {  	[sflag:s17] =	ssyncset.done $0x0  }
0x61: {  	s5 =	simm.s32 $0xC0;
	[sflag:s17] =	ssyncadd.s32 $0xFFFFE000  }
0x62: {  	[tilespmem:s11], [sflag:$0x9] =	stream.indirect.gather.add.f32 [hbm:s2], $0x80, s5, s14, $0xb8;
	[tilespmem:$0x8100] =	vst v63  }
0x63: {  	_ =	swait.ge [sflag:s19], $0x2000  }
0x64: {  	[sflag:s19] =	ssyncset.done $0x0  }
0x65: {  	[sflag:s19] =	ssyncadd.s32 $0xFFFFE000  }
0x66: {  	[hbm4b:s20+s3] =	stream.linear.scatter [tilespmem:s6], [sflag:$0xA], $0x2000, $0x38;
	[tilespmem:$0x8100] =	vst v63  }
0x67: {  	_ =	swait.ge [sflag:s21], $0x2000  }
0x68: {  	[sflag:s21] =	ssyncset.done $0x0  }
0x69: {  	[sflag:s21] =	ssyncadd.s32 $0xFFFFE000  }
0x6a: {  	[hbm4b:s22+s3] =	stream.linear.scatter [tilespmem:s7], [sflag:$0xB], $0x2000, $0x38;
	[tilespmem:$0x8100] =	vst v63  }
0x6b: {  	_ =	swait.ge [sflag:s23], $0x2000  }
0x6c: {  	[sflag:s23] =	ssyncset.done $0x0  }
0x6d: {  	[sflag:s23] =	ssyncadd.s32 $0xFFFFE000  }
0x6e: {  	[hbm4b:s24+s3] =	stream.linear.scatter [tilespmem:s9], [sflag:$0xC], $0x2000, $0x38;
	[tilespmem:$0x8100] =	vst v63  }
0x6f: {  	_ =	swait.ge [sflag:s25], $0x2000  }
0x70: {  	[sflag:s25] =	ssyncset.done $0x0  }
0x71: {  	[sflag:s25] =	ssyncadd.s32 $0xFFFFE000  }
0x72: {  	[hbm4b:s26+s3] =	stream.linear.scatter [tilespmem:s11], [sflag:$0xD], $0x2000, $0x38;
	[tilespmem:$0x8100] =	vst v63  }
0x73: {  	_ =	swait.ge [sflag:s28], $0x2000  }
0x74: {  	[sflag:s28] =	ssyncset.done $0x0  }
0x75: {  	[sflag:s28] =	ssyncadd.s32 $0xFFFFE000  }
0x76: {  	_ =	swait.ge [sflag:s29], $0x2000  }
0x77: {  	p0 =	sne.s32 s0, $0x1;
	[sflag:s29] =	ssyncset.done $0x0  }
.Ltmp1:
0x78: {  	[sflag:s29] =	ssyncadd.s32 $0xFFFFE000;
	(pc) =	sbr.rel @p0 .LBB2_2-.Ltmp1, $4  }
0x79: {  	_ =	swait.ge [sflag:s30], $0x2000  }
0x7a: {  	[sflag:s30] =	ssyncset.done $0x0  }
0x7b: {  	[sflag:s30] =	ssyncadd.s32 $0xFFFFE000  }
0x7c: {  	s0 =	sadd.s32 $0xFFFFFFFF, s0;
	_ =	swait.ge [sflag:s31], $0x2000  }
.LBB2_3:
0x7d: {  	[sflag:s31] =	ssyncset.done $0x0  }
0x7e: {  	[sflag:s31] =	ssyncadd.s32 $0xFFFFE000  }
0x7f: {  	_ =	sfence.sel $0x180000  }
0x80: {  	[bflag:$0x0] =	sbarrier.arrive $0xFFFF  }
0x81: {  	_ =	strace $0x90000047  }
0x82: {  	s0 =	stileid.u32;
	[bflag:$0x2] =	sbarrier.arrive $0xFFFF  }
0x83: {  	p0 =	sne.s32 s0, $0x0;
	s0 =	rddreg [dreg:$0x4]  }
0x84: {  	s0 =	sadd.s32 @!p0 $0x100000, s0  }
0x85: {  	[sflag:s0] =	ssyncadd.tile.s32 @!p0 $0x1;
	_ =	shalt  }
.Lfunc_end2:
_tile_overlayer_lowered:
.L_overlay_start_2:
0x86: {  	(tag) =	ssettag $0x2  }
0x87: {  	s0 =	rddreg [dreg:$0x0];
	s2 =	stileid.u32  }
0x88: {  	s1 =	rddreg [dreg:$0x1];
	p0 =	sne.s32 s2, $0x0  }
0x89: {  	s3 =	rddreg [dreg:$0x2];
	[bflag:$0x3] =	sbarrier.arrive $0xFFFF;
	s2 =	simm.s32 @!p0 $0x1C0E  }
0x8a: {  	[timem:s3], [sflag:s2] =	dma.local @!p0 [hbm:s0], s1  }
0x8b: {  	s0 =	simm.s32 @!p0 $0xE  }
0x8c: {  	_ =	swait.ge @!p0 [sflag:s0], s1  }
0x8d: {  	s1 =	ssub.s32 @!p0 $0x0, s1;
	[sflag:s0] =	ssyncset.done @!p0 $0x0  }
0x8e: {  	[sflag:s0] =	ssyncadd.s32 @!p0 s1  }
0x8f: {  	[bflag:$0x3] =	sbarrier.arrive $0xFFFF  }
0x90: {  	_ =	shalt  }

</sc_bundles>
